<compile_context>
chip_gen: v7x
topology: tpu7x:2x2x1
jax: 0.10.2.dev20260603
libtpu: 0.0.44.dev20260713+nightly
codegen_flags: <defaults>
</compile_context>

<pallas_src>
import functools

import jax
import jax.numpy as jnp
from jax import lax
from jax.experimental import pallas as pl
from jax.experimental.pallas import tpu as pltpu
from jax.experimental.pallas import tpu_sc as plsc

B, T, D = 4096, 77, 768
NW = 32
BPW = B // NW
CH = 64
NSUB = BPW // CH
NG = T * NSUB


def _body(xT, tok, pos, out, idx_all, prow, rowsA, rowsB,
          psem, gsemA, gsemB, ssemA, ssemB):
    wid = lax.axis_index("s") * 2 + lax.axis_index("c")
    b0 = wid * BPW

    pltpu.sync_copy(xT.at[:, pl.ds(b0, BPW)], idx_all)

    def pos_load(t):
        sel = lax.rem(t, 3)
        return pltpu.make_async_copy(
            pos.at[pl.ds(t, 1)], prow.at[pl.ds(sel, 1)], psem.at[sel])

    def idx_ref(g):
        return idx_all.at[g // NSUB, pl.ds((g % NSUB) * CH, CH)]

    def out_ref(g):
        return out.at[pl.ds(b0 + (g % NSUB) * CH, CH),
                      pl.ds(g // NSUB, 1)]

    def add_pos(g, buf):
        sel = lax.rem(g // NSUB, 3)
        for h in range(2):
            pv = tuple(prow[sel, pl.ds(h * 384 + j * 16, 16)]
                       for j in range(24))

            def r_body(r, carry):
                for j in range(24):
                    plsc.addupdate(buf.at[r, 0, pl.ds(h * 384 + j * 16, 16)],
                                   carry[j])
                return carry

            lax.fori_loop(0, CH, r_body, pv)

    bufs = ((rowsA, gsemA, ssemA), (rowsB, gsemB, ssemB))
    pos_load(0).start()
    pos_load(0).wait()
    pos_load(1).start()
    pltpu.async_copy(tok.at[idx_ref(0)], rowsA, gsemA)

    def g2_body(g2, _):
        for bpar in range(2):
            g = g2 * 2 + bpar
            cur_buf, cur_g, cur_s = bufs[bpar]
            nxt_buf, nxt_g, nxt_s = bufs[1 - bpar]

            if bpar == 0:
                t = g // NSUB

                @pl.when(t >= 1)
                def _():
                    pos_load(t).wait()

                @pl.when(t + 2 < T)
                def _():
                    pos_load(t + 2).start()

            @pl.when(g >= 1)
            def _():
                pltpu.make_async_copy(nxt_buf, out_ref(g - 1), nxt_s).wait()

            @pl.when(g + 1 < NG)
            def _():
                pltpu.async_copy(tok.at[idx_ref(g + 1)], nxt_buf, nxt_g)

            pltpu.make_async_copy(tok.at[idx_ref(g)], cur_buf, cur_g).wait()
            add_pos(g, cur_buf)
            pltpu.async_copy(cur_buf, out_ref(g), cur_s)
        return 0

    lax.fori_loop(0, NG // 2, g2_body, 0)
    pltpu.make_async_copy(rowsB, out_ref(NG - 1), ssemB).wait()


@jax.jit
def kernel(x, tok_embed, pos_embed):
    xT = x.astype(jnp.int32).T
    tok3 = tok_embed.reshape(tok_embed.shape[0], 1, D)
    mesh = plsc.VectorSubcoreMesh(core_axis_name="c", subcore_axis_name="s")
    k = functools.partial(
        pl.kernel,
        mesh=mesh,
        out_type=jax.ShapeDtypeStruct((B, T, D), jnp.float32),
        scratch_types=[
            pltpu.VMEM((T, BPW), jnp.int32),
            pltpu.VMEM((3, D), jnp.float32),
            pltpu.VMEM((CH, 1, D), jnp.float32),
            pltpu.VMEM((CH, 1, D), jnp.float32),
            pltpu.SemaphoreType.DMA((3,)),
            pltpu.SemaphoreType.DMA,
            pltpu.SemaphoreType.DMA,
            pltpu.SemaphoreType.DMA,
            pltpu.SemaphoreType.DMA,
        ],
    )(_body)
    return k(xT, tok3, pos_embed)

# --- scband reference (transcript-rebuilt; emitter-appended) ---
"""Pipeline reference for scband-cliptext-embedding-5892695130385 (READ-ONLY COPY).

The authoritative reference and input builder live on the scoring server;
editing this copy changes nothing except your own understanding.
"""

import jax, jax.numpy as jnp
import numpy as np


def setup_inputs(seed: int = 0) -> dict:
    key = jax.random.key(seed)
    k_x, k_tok, k_pos = jax.random.split(key, 3)
    vocab_size, max_length, hidden_dim = 49408, 77, 768
    batch = 4096
    x = jax.random.randint(k_x, (batch, max_length), 0, vocab_size, dtype=jnp.int64)
    tok_embed = jax.random.normal(k_tok, (vocab_size, hidden_dim), dtype=jnp.float32) * 0.02
    pos_embed = jax.random.normal(k_pos, (max_length, hidden_dim), dtype=jnp.float32) * 0.02
    return {"x": x, "tok_embed": tok_embed, "pos_embed": pos_embed}


def reference(x, tok_embed, pos_embed):
    # CLIPTextEmbedding.forward:
    # Tq = x.shape[1]; out = tok_embed(x) + pos_embed(position_ids[:, :Tq])
    Tq = x.shape[1]
    position_ids = jnp.arange(Tq)  # registered buffer arange(max_length)[:Tq]
    tok = jnp.take(tok_embed, x, axis=0)                    # [B, Tq, D] gather
    pos = jnp.take(pos_embed, position_ids, axis=0)         # [Tq, D]
    return tok + pos[None, :, :]

if __name__ == "__main__":
    import jax
    _d = setup_inputs()
    print(jax.jit(kernel)(*tuple(_d.values())))

</pallas_src>

<mosaic_0001>
#map = affine_map<(d0, d1) -> (0, 0)>
#map1 = affine_map<(d0, d1) -> (0, 0, 0)>
module attributes {stable_mosaic.version = 14 : i64} {
  func.func @_body(%arg0: i32, %arg1: i32, %arg2: memref<77x4096xi32, #tpu.memory_space<hbm>>, %arg3: memref<49408x1x768xf32, #tpu.memory_space<hbm>>, %arg4: memref<77x768xf32, #tpu.memory_space<hbm>>, %arg5: memref<4096x77x768xf32, #tpu.memory_space<hbm>>, %arg6: memref<77x128xi32, #tpu.memory_space<vmem>>, %arg7: memref<3x768xf32, #tpu.memory_space<vmem>>, %arg8: memref<64x1x768xf32, #tpu.memory_space<vmem>>, %arg9: memref<64x1x768xf32, #tpu.memory_space<vmem>>, %arg10: memref<3x!tpu.dma_semaphore, #tpu.memory_space<semaphore_mem>>, %arg11: memref<!tpu.dma_semaphore, #tpu.memory_space<semaphore_mem>>, %arg12: memref<!tpu.dma_semaphore, #tpu.memory_space<semaphore_mem>>, %arg13: memref<!tpu.dma_semaphore, #tpu.memory_space<semaphore_mem>>, %arg14: memref<!tpu.dma_semaphore, #tpu.memory_space<semaphore_mem>>) attributes {dimension_semantics = [#tpu.dimension_semantics<core_parallel>, #tpu.dimension_semantics<subcore_parallel>], iteration_bounds = array<i64: 2, 16>, scalar_prefetch = 0 : i64, scratch_operands = 9 : i64, tpu.core_type = #tpu.core_type<sc_vector_subcore>, window_params = [{transform_indices = #map}, {transform_indices = #map1}, {transform_indices = #map}, {transform_indices = #map1}]} {
    %mul3A = arith.constant 2 : i32
    %mul3A_0 = arith.muli %arg1, %mul3A : i32
    %add3A = arith.addi %mul3A_0, %arg0 : i32
    %mul3A_1 = arith.constant 128 : i32
    %mul3A_2 = arith.muli %add3A, %mul3A_1 : i32
    "tpu.region"() ({
      %run_scoped3A = tpu.sem_alloc : memref<!tpu.dma_semaphore, #tpu.memory_space<semaphore_mem>>
      %dma_start3A_67 = arith.constant 0 : i32
      %dma_start3A_68 = tpu.memref_slice %arg2[%dma_start3A_67, %mul3A_2] : memref<77x4096xi32, #tpu.memory_space<hbm>> -> memref<77x128xi32, #tpu.memory_space<hbm>>
      %dma_start3A_69 = arith.constant 0 : i32
      %dma_start3A_70 = tpu.memref_slice %arg2[%dma_start3A_69, %mul3A_2] : memref<77x4096xi32, #tpu.memory_space<hbm>> -> memref<77x128xi32, #tpu.memory_space<hbm>>
      tpu.enqueue_dma source(%dma_start3A_70 : memref<77x128xi32, #tpu.memory_space<hbm>>) target(%arg6 : memref<77x128xi32, #tpu.memory_space<vmem>>) target_semaphore(%run_scoped3A : memref<!tpu.dma_semaphore, #tpu.memory_space<semaphore_mem>>)
      %dma_wait3A_71 = arith.constant 0 : i32
      %dma_wait3A_72 = tpu.memref_slice %arg2[%dma_wait3A_71, %mul3A_2] : memref<77x4096xi32, #tpu.memory_space<hbm>> -> memref<77x128xi32, #tpu.memory_space<hbm>>
      %dma_wait3A_73 = arith.constant 0 : i32
      %dma_wait3A_74 = tpu.memref_slice %arg2[%dma_wait3A_73, %mul3A_2] : memref<77x4096xi32, #tpu.memory_space<hbm>> -> memref<77x128xi32, #tpu.memory_space<hbm>>
      tpu.wait_dma2 semaphore(%run_scoped3A : memref<!tpu.dma_semaphore, #tpu.memory_space<semaphore_mem>>) src(%dma_wait3A_74 : memref<77x128xi32, #tpu.memory_space<hbm>>) dst(%arg6 : memref<77x128xi32, #tpu.memory_space<vmem>>)
      tpu.yield
    }) : () -> ()
    %rem3A = arith.constant 0 : i32
    %rem3A_3 = arith.constant 3 : i32
    %rem3A_4 = arith.remsi %rem3A, %rem3A_3 : i32
    %dma_start3A = arith.constant 0 : i32
    %dma_start3A_5 = tpu.memref_slice %arg7[%rem3A_4, %dma_start3A] : memref<3x768xf32, #tpu.memory_space<vmem>> -> memref<1x768xf32, #tpu.memory_space<vmem>>
    %dma_start3A_6 = arith.constant 0 : i32
    %dma_start3A_7 = arith.constant 0 : i32
    %dma_start3A_8 = tpu.memref_slice %arg4[%dma_start3A_6, %dma_start3A_7] : memref<77x768xf32, #tpu.memory_space<hbm>> -> memref<1x768xf32, #tpu.memory_space<hbm>>
    %dma_start3A_9 = tpu.memref_slice %arg10[%rem3A_4] : memref<3x!tpu.dma_semaphore, #tpu.memory_space<semaphore_mem>> -> memref<1x!tpu.dma_semaphore, #tpu.memory_space<semaphore_mem>>
    %dma_start3A_10 = tpu.memref_squeeze %dma_start3A_9 : memref<1x!tpu.dma_semaphore, #tpu.memory_space<semaphore_mem>> -> memref<!tpu.dma_semaphore, #tpu.memory_space<semaphore_mem>>
    %dma_start3A_11 = arith.constant 0 : i32
    %dma_start3A_12 = tpu.memref_slice %arg7[%rem3A_4, %dma_start3A_11] : memref<3x768xf32, #tpu.memory_space<vmem>> -> memref<1x768xf32, #tpu.memory_space<vmem>>
    %dma_start3A_13 = arith.constant 0 : i32
    %dma_start3A_14 = arith.constant 0 : i32
    %dma_start3A_15 = tpu.memref_slice %arg4[%dma_start3A_13, %dma_start3A_14] : memref<77x768xf32, #tpu.memory_space<hbm>> -> memref<1x768xf32, #tpu.memory_space<hbm>>
    tpu.enqueue_dma source(%dma_start3A_15 : memref<1x768xf32, #tpu.memory_space<hbm>>) target(%dma_start3A_12 : memref<1x768xf32, #tpu.memory_space<vmem>>) target_semaphore(%dma_start3A_10 : memref<!tpu.dma_semaphore, #tpu.memory_space<semaphore_mem>>)
    %rem3A_16 = arith.constant 0 : i32
    %rem3A_17 = arith.constant 3 : i32
    %rem3A_18 = arith.remsi %rem3A_16, %rem3A_17 : i32
    %dma_wait3A = arith.constant 0 : i32
    %dma_wait3A_19 = tpu.memref_slice %arg7[%rem3A_18, %dma_wait3A] : memref<3x768xf32, #tpu.memory_space<vmem>> -> memref<1x768xf32, #tpu.memory_space<vmem>>
    %dma_wait3A_20 = arith.constant 0 : i32
    %dma_wait3A_21 = arith.constant 0 : i32
    %dma_wait3A_22 = tpu.memref_slice %arg4[%dma_wait3A_20, %dma_wait3A_21] : memref<77x768xf32, #tpu.memory_space<hbm>> -> memref<1x768xf32, #tpu.memory_space<hbm>>
    %dma_wait3A_23 = tpu.memref_slice %arg10[%rem3A_18] : memref<3x!tpu.dma_semaphore, #tpu.memory_space<semaphore_mem>> -> memref<1x!tpu.dma_semaphore, #tpu.memory_space<semaphore_mem>>
    %dma_wait3A_24 = tpu.memref_squeeze %dma_wait3A_23 : memref<1x!tpu.dma_semaphore, #tpu.memory_space<semaphore_mem>> -> memref<!tpu.dma_semaphore, #tpu.memory_space<semaphore_mem>>
    %dma_wait3A_25 = arith.constant 0 : i32
    %dma_wait3A_26 = tpu.memref_slice %arg7[%rem3A_18, %dma_wait3A_25] : memref<3x768xf32, #tpu.memory_space<vmem>> -> memref<1x768xf32, #tpu.memory_space<vmem>>
    %dma_wait3A_27 = arith.constant 0 : i32
    %dma_wait3A_28 = arith.constant 0 : i32
    %dma_wait3A_29 = tpu.memref_slice %arg4[%dma_wait3A_27, %dma_wait3A_28] : memref<77x768xf32, #tpu.memory_space<hbm>> -> memref<1x768xf32, #tpu.memory_space<hbm>>
    tpu.wait_dma2 semaphore(%dma_wait3A_24 : memref<!tpu.dma_semaphore, #tpu.memory_space<semaphore_mem>>) src(%dma_wait3A_29 : memref<1x768xf32, #tpu.memory_space<hbm>>) dst(%dma_wait3A_26 : memref<1x768xf32, #tpu.memory_space<vmem>>)
    %rem3A_30 = arith.constant 1 : i32
    %rem3A_31 = arith.constant 3 : i32
    %rem3A_32 = arith.remsi %rem3A_30, %rem3A_31 : i32
    %dma_start3A_33 = arith.constant 0 : i32
    %dma_start3A_34 = tpu.memref_slice %arg7[%rem3A_32, %dma_start3A_33] : memref<3x768xf32, #tpu.memory_space<vmem>> -> memref<1x768xf32, #tpu.memory_space<vmem>>
    %dma_start3A_35 = arith.constant 1 : i32
    %dma_start3A_36 = arith.constant 0 : i32
    %dma_start3A_37 = tpu.memref_slice %arg4[%dma_start3A_35, %dma_start3A_36] : memref<77x768xf32, #tpu.memory_space<hbm>> -> memref<1x768xf32, #tpu.memory_space<hbm>>
    %dma_start3A_38 = tpu.memref_slice %arg10[%rem3A_32] : memref<3x!tpu.dma_semaphore, #tpu.memory_space<semaphore_mem>> -> memref<1x!tpu.dma_semaphore, #tpu.memory_space<semaphore_mem>>
    %dma_start3A_39 = tpu.memref_squeeze %dma_start3A_38 : memref<1x!tpu.dma_semaphore, #tpu.memory_space<semaphore_mem>> -> memref<!tpu.dma_semaphore, #tpu.memory_space<semaphore_mem>>
    %dma_start3A_40 = arith.constant 0 : i32
    %dma_start3A_41 = tpu.memref_slice %arg7[%rem3A_32, %dma_start3A_40] : memref<3x768xf32, #tpu.memory_space<vmem>> -> memref<1x768xf32, #tpu.memory_space<vmem>>
    %dma_start3A_42 = arith.constant 1 : i32
    %dma_start3A_43 = arith.constant 0 : i32
    %dma_start3A_44 = tpu.memref_slice %arg4[%dma_start3A_42, %dma_start3A_43] : memref<77x768xf32, #tpu.memory_space<hbm>> -> memref<1x768xf32, #tpu.memory_space<hbm>>
    tpu.enqueue_dma source(%dma_start3A_44 : memref<1x768xf32, #tpu.memory_space<hbm>>) target(%dma_start3A_41 : memref<1x768xf32, #tpu.memory_space<vmem>>) target_semaphore(%dma_start3A_39 : memref<!tpu.dma_semaphore, #tpu.memory_space<semaphore_mem>>)
    %dma_start3A_45 = arith.constant 0 : i32
    %dma_start3A_46 = arith.constant 0 : i32
    %dma_start3A_47 = tpu.memref_slice %arg6[%dma_start3A_45, %dma_start3A_46] : memref<77x128xi32, #tpu.memory_space<vmem>> -> memref<1x64xi32, #tpu.memory_space<vmem>>
    %dma_start3A_48 = tpu.memref_squeeze %dma_start3A_47 : memref<1x64xi32, #tpu.memory_space<vmem>> -> memref<64xi32, #tpu.memory_space<vmem>>
    %dma_start3A_49 = arith.constant 0 : i32
    %dma_start3A_50 = arith.constant 0 : i32
    %dma_start3A_51 = arith.constant 0 : i32
    %dma_start3A_52 = tpu.memref_slice %arg3[%dma_start3A_49, %dma_start3A_50, %dma_start3A_51] : memref<49408x1x768xf32, #tpu.memory_space<hbm>> -> memref<49408x1x768xf32, #tpu.memory_space<hbm>>
    tpu.enqueue_indirect_dma source(%dma_start3A_52 : memref<49408x1x768xf32, #tpu.memory_space<hbm>>) target(%arg8 : memref<64x1x768xf32, #tpu.memory_space<vmem>>) offsets(%dma_start3A_48 : memref<64xi32, #tpu.memory_space<vmem>>) semaphore(%arg11 : memref<!tpu.dma_semaphore, #tpu.memory_space<semaphore_mem>>)
    %scan3A = arith.constant 0 : i32
    %scan3A_53 = arith.constant 0 : i32
    %scan3A_54 = arith.constant 77 : i32
    %scan3A_55 = arith.addi %scan3A_53, %scan3A_54 : i32
    %scan3A_56 = arith.constant 1 : i32
    %scan3A_57 = scf.for %scan3A_67 = %scan3A_53 to %scan3A_55 step %scan3A_56 iter_args(%scan3A_68 = %scan3A) -> (i32)  : i32 {
      %mul3A_69 = arith.constant 2 : i32
      %mul3A_70 = arith.muli %scan3A_67, %mul3A_69 : i32
      %add3A_71 = arith.constant 0 : i32
      %add3A_72 = arith.addi %mul3A_70, %add3A_71 : i32
      %jit3A = arith.constant 2 : i32
      %div3A = arith.divsi %add3A_72, %jit3A : i32
      %sign3A = arith.constant 0 : i32
      %sign3A_73 = arith.cmpi sgt, %add3A_72, %sign3A : i32
      %sign3A_74 = arith.extui %sign3A_73 : i1 to i32
      %sign3A_75 = arith.constant 0 : i32
      %sign3A_76 = arith.cmpi slt, %add3A_72, %sign3A_75 : i32
      %sign3A_77 = arith.extui %sign3A_76 : i1 to i32
      %sign3A_78 = arith.subi %sign3A_74, %sign3A_77 : i32
      %sign3A_79 = arith.constant 0 : i32
      %sign3A_80 = arith.cmpi sgt, %jit3A, %sign3A_79 : i32
      %sign3A_81 = arith.extui %sign3A_80 : i1 to i32
      %sign3A_82 = arith.constant 0 : i32
      %sign3A_83 = arith.cmpi slt, %jit3A, %sign3A_82 : i32
      %sign3A_84 = arith.extui %sign3A_83 : i1 to i32
      %sign3A_85 = arith.subi %sign3A_81, %sign3A_84 : i32
      %ne3A = arith.cmpi ne, %sign3A_78, %sign3A_85 : i32
      %rem3A_86 = arith.remsi %add3A_72, %jit3A : i32
      %ne3A_87 = arith.constant 0 : i32
      %ne3A_88 = arith.cmpi ne, %rem3A_86, %ne3A_87 : i32
      %and3A = arith.andi %ne3A, %ne3A_88 : i1
      %sub3A = arith.constant 1 : i32
      %sub3A_89 = arith.subi %div3A, %sub3A : i32
      %select_n3A = arith.select %and3A, %sub3A_89, %div3A : i32
      %ge3A = arith.constant 1 : i32
      %ge3A_90 = arith.cmpi sge, %select_n3A, %ge3A : i32
      %convert_element_type3A = arith.extui %ge3A_90 : i1 to i32
      %cond3A = arith.constant 0 : i32
      %cond3A_91 = arith.cmpi ne, %convert_element_type3A, %cond3A : i32
      scf.if %cond3A_91 {
        %rem3A_771 = arith.constant 3 : i32
        %rem3A_772 = arith.remsi %select_n3A, %rem3A_771 : i32
        %dma_wait3A_773 = arith.constant 0 : i32
        %dma_wait3A_774 = tpu.memref_slice %arg7[%rem3A_772, %dma_wait3A_773] : memref<3x768xf32, #tpu.memory_space<vmem>> -> memref<1x768xf32, #tpu.memory_space<vmem>>
        %dma_wait3A_775 = arith.constant 0 : i32
        %dma_wait3A_776 = tpu.memref_slice %arg4[%select_n3A, %dma_wait3A_775] : memref<77x768xf32, #tpu.memory_space<hbm>> -> memref<1x768xf32, #tpu.memory_space<hbm>>
        %dma_wait3A_777 = tpu.memref_slice %arg10[%rem3A_772] : memref<3x!tpu.dma_semaphore, #tpu.memory_space<semaphore_mem>> -> memref<1x!tpu.dma_semaphore, #tpu.memory_space<semaphore_mem>>
        %dma_wait3A_778 = tpu.memref_squeeze %dma_wait3A_777 : memref<1x!tpu.dma_semaphore, #tpu.memory_space<semaphore_mem>> -> memref<!tpu.dma_semaphore, #tpu.memory_space<semaphore_mem>>
        %dma_wait3A_779 = arith.constant 0 : i32
        %dma_wait3A_780 = tpu.memref_slice %arg7[%rem3A_772, %dma_wait3A_779] : memref<3x768xf32, #tpu.memory_space<vmem>> -> memref<1x768xf32, #tpu.memory_space<vmem>>
        %dma_wait3A_781 = arith.constant 0 : i32
        %dma_wait3A_782 = tpu.memref_slice %arg4[%select_n3A, %dma_wait3A_781] : memref<77x768xf32, #tpu.memory_space<hbm>> -> memref<1x768xf32, #tpu.memory_space<hbm>>
        tpu.wait_dma2 semaphore(%dma_wait3A_778 : memref<!tpu.dma_semaphore, #tpu.memory_space<semaphore_mem>>) src(%dma_wait3A_782 : memref<1x768xf32, #tpu.memory_space<hbm>>) dst(%dma_wait3A_780 : memref<1x768xf32, #tpu.memory_space<vmem>>)
      } else {
      }
      %add3A_92 = arith.constant 2 : i32
      %add3A_93 = arith.addi %select_n3A, %add3A_92 : i32
      %lt3A = arith.constant 77 : i32
      %lt3A_94 = arith.cmpi slt, %add3A_93, %lt3A : i32
      %convert_element_type3A_95 = arith.extui %lt3A_94 : i1 to i32
      %cond3A_96 = arith.constant 0 : i32
      %cond3A_97 = arith.cmpi ne, %convert_element_type3A_95, %cond3A_96 : i32
      scf.if %cond3A_97 {
        %add3A_771 = arith.constant 2 : i32
        %add3A_772 = arith.addi %select_n3A, %add3A_771 : i32
        %rem3A_773 = arith.constant 3 : i32
        %rem3A_774 = arith.remsi %add3A_772, %rem3A_773 : i32
        %dma_start3A_775 = arith.constant 0 : i32
        %dma_start3A_776 = tpu.memref_slice %arg7[%rem3A_774, %dma_start3A_775] : memref<3x768xf32, #tpu.memory_space<vmem>> -> memref<1x768xf32, #tpu.memory_space<vmem>>
        %dma_start3A_777 = arith.constant 0 : i32
        %dma_start3A_778 = tpu.memref_slice %arg4[%add3A_772, %dma_start3A_777] : memref<77x768xf32, #tpu.memory_space<hbm>> -> memref<1x768xf32, #tpu.memory_space<hbm>>
        %dma_start3A_779 = tpu.memref_slice %arg10[%rem3A_774] : memref<3x!tpu.dma_semaphore, #tpu.memory_space<semaphore_mem>> -> memref<1x!tpu.dma_semaphore, #tpu.memory_space<semaphore_mem>>
        %dma_start3A_780 = tpu.memref_squeeze %dma_start3A_779 : memref<1x!tpu.dma_semaphore, #tpu.memory_space<semaphore_mem>> -> memref<!tpu.dma_semaphore, #tpu.memory_space<semaphore_mem>>
        %dma_start3A_781 = arith.constant 0 : i32
        %dma_start3A_782 = tpu.memref_slice %arg7[%rem3A_774, %dma_start3A_781] : memref<3x768xf32, #tpu.memory_space<vmem>> -> memref<1x768xf32, #tpu.memory_space<vmem>>
        %dma_start3A_783 = arith.constant 0 : i32
        %dma_start3A_784 = tpu.memref_slice %arg4[%add3A_772, %dma_start3A_783] : memref<77x768xf32, #tpu.memory_space<hbm>> -> memref<1x768xf32, #tpu.memory_space<hbm>>
        tpu.enqueue_dma source(%dma_start3A_784 : memref<1x768xf32, #tpu.memory_space<hbm>>) target(%dma_start3A_782 : memref<1x768xf32, #tpu.memory_space<vmem>>) target_semaphore(%dma_start3A_780 : memref<!tpu.dma_semaphore, #tpu.memory_space<semaphore_mem>>)
      } else {
      }
      %ge3A_98 = arith.constant 1 : i32
      %ge3A_99 = arith.cmpi sge, %add3A_72, %ge3A_98 : i32
      %convert_element_type3A_100 = arith.extui %ge3A_99 : i1 to i32
      %cond3A_101 = arith.constant 0 : i32
      %cond3A_102 = arith.cmpi ne, %convert_element_type3A_100, %cond3A_101 : i32
      scf.if %cond3A_102 {
        %sub3A_771 = arith.constant 1 : i32
        %sub3A_772 = arith.subi %add3A_72, %sub3A_771 : i32
        %jit3A_773 = arith.constant 2 : i32
        %eq3A_774 = arith.constant 0 : i32
        %eq3A_775 = arith.cmpi eq, %jit3A_773, %eq3A_774 : i32
        %jit3A_776 = arith.constant 1 : i32
        %select_n3A_777 = arith.select %eq3A_775, %jit3A_776, %jit3A_773 : i32
        %rem3A_778 = arith.remsi %sub3A_772, %select_n3A_777 : i32
        %ne3A_779 = arith.constant 0 : i32
        %ne3A_780 = arith.cmpi ne, %rem3A_778, %ne3A_779 : i32
        %lt3A_781 = arith.constant 0 : i32
        %lt3A_782 = arith.cmpi slt, %rem3A_778, %lt3A_781 : i32
        %lt3A_783 = arith.constant 0 : i32
        %lt3A_784 = arith.cmpi slt, %select_n3A_777, %lt3A_783 : i32
        %ne3A_785 = arith.xori %lt3A_782, %lt3A_784 : i1
        %and3A_786 = arith.andi %ne3A_785, %ne3A_780 : i1
        %add3A_787 = arith.addi %rem3A_778, %select_n3A_777 : i32
        %select_n3A_788 = arith.select %and3A_786, %add3A_787, %rem3A_778 : i32
        %mul3A_789 = arith.constant 64 : i32
        %mul3A_790 = arith.muli %select_n3A_788, %mul3A_789 : i32
        %add3A_791 = arith.addi %mul3A_2, %mul3A_790 : i32
        %jit3A_792 = arith.constant 2 : i32
        %div3A_793 = arith.divsi %sub3A_772, %jit3A_792 : i32
        %sign3A_794 = arith.constant 0 : i32
        %sign3A_795 = arith.cmpi sgt, %sub3A_772, %sign3A_794 : i32
        %sign3A_796 = arith.extui %sign3A_795 : i1 to i32
        %sign3A_797 = arith.constant 0 : i32
        %sign3A_798 = arith.cmpi slt, %sub3A_772, %sign3A_797 : i32
        %sign3A_799 = arith.extui %sign3A_798 : i1 to i32
        %sign3A_800 = arith.subi %sign3A_796, %sign3A_799 : i32
        %sign3A_801 = arith.constant 0 : i32
        %sign3A_802 = arith.cmpi sgt, %jit3A_792, %sign3A_801 : i32
        %sign3A_803 = arith.extui %sign3A_802 : i1 to i32
        %sign3A_804 = arith.constant 0 : i32
        %sign3A_805 = arith.cmpi slt, %jit3A_792, %sign3A_804 : i32
        %sign3A_806 = arith.extui %sign3A_805 : i1 to i32
        %sign3A_807 = arith.subi %sign3A_803, %sign3A_806 : i32
        %ne3A_808 = arith.cmpi ne, %sign3A_800, %sign3A_807 : i32
        %rem3A_809 = arith.remsi %sub3A_772, %jit3A_792 : i32
        %ne3A_810 = arith.constant 0 : i32
        %ne3A_811 = arith.cmpi ne, %rem3A_809, %ne3A_810 : i32
        %and3A_812 = arith.andi %ne3A_808, %ne3A_811 : i1
        %sub3A_813 = arith.constant 1 : i32
        %sub3A_814 = arith.subi %div3A_793, %sub3A_813 : i32
        %select_n3A_815 = arith.select %and3A_812, %sub3A_814, %div3A_793 : i32
        %dma_wait3A_816 = arith.constant 0 : i32
        %dma_wait3A_817 = tpu.memref_slice %arg5[%add3A_791, %select_n3A_815, %dma_wait3A_816] : memref<4096x77x768xf32, #tpu.memory_space<hbm>> -> memref<64x1x768xf32, #tpu.memory_space<hbm>>
        %dma_wait3A_818 = arith.constant 0 : i32
        %dma_wait3A_819 = tpu.memref_slice %arg5[%add3A_791, %select_n3A_815, %dma_wait3A_818] : memref<4096x77x768xf32, #tpu.memory_space<hbm>> -> memref<64x1x768xf32, #tpu.memory_space<hbm>>
        tpu.wait_dma2 semaphore(%arg14 : memref<!tpu.dma_semaphore, #tpu.memory_space<semaphore_mem>>) src(%arg9 : memref<64x1x768xf32, #tpu.memory_space<vmem>>) dst(%dma_wait3A_819 : memref<64x1x768xf32, #tpu.memory_space<hbm>>)
      } else {
      }
      %add3A_103 = arith.constant 1 : i32
      %add3A_104 = arith.addi %add3A_72, %add3A_103 : i32
      %lt3A_105 = arith.constant 154 : i32
      %lt3A_106 = arith.cmpi slt, %add3A_104, %lt3A_105 : i32
      %convert_element_type3A_107 = arith.extui %lt3A_106 : i1 to i32
      %cond3A_108 = arith.constant 0 : i32
      %cond3A_109 = arith.cmpi ne, %convert_element_type3A_107, %cond3A_108 : i32
      scf.if %cond3A_109 {
        %add3A_771 = arith.constant 1 : i32
        %add3A_772 = arith.addi %add3A_72, %add3A_771 : i32
        %jit3A_773 = arith.constant 2 : i32
        %div3A_774 = arith.divsi %add3A_772, %jit3A_773 : i32
        %sign3A_775 = arith.constant 0 : i32
        %sign3A_776 = arith.cmpi sgt, %add3A_772, %sign3A_775 : i32
        %sign3A_777 = arith.extui %sign3A_776 : i1 to i32
        %sign3A_778 = arith.constant 0 : i32
        %sign3A_779 = arith.cmpi slt, %add3A_772, %sign3A_778 : i32
        %sign3A_780 = arith.extui %sign3A_779 : i1 to i32
        %sign3A_781 = arith.subi %sign3A_777, %sign3A_780 : i32
        %sign3A_782 = arith.constant 0 : i32
        %sign3A_783 = arith.cmpi sgt, %jit3A_773, %sign3A_782 : i32
        %sign3A_784 = arith.extui %sign3A_783 : i1 to i32
        %sign3A_785 = arith.constant 0 : i32
        %sign3A_786 = arith.cmpi slt, %jit3A_773, %sign3A_785 : i32
        %sign3A_787 = arith.extui %sign3A_786 : i1 to i32
        %sign3A_788 = arith.subi %sign3A_784, %sign3A_787 : i32
        %ne3A_789 = arith.cmpi ne, %sign3A_781, %sign3A_788 : i32
        %rem3A_790 = arith.remsi %add3A_772, %jit3A_773 : i32
        %ne3A_791 = arith.constant 0 : i32
        %ne3A_792 = arith.cmpi ne, %rem3A_790, %ne3A_791 : i32
        %and3A_793 = arith.andi %ne3A_789, %ne3A_792 : i1
        %sub3A_794 = arith.constant 1 : i32
        %sub3A_795 = arith.subi %div3A_774, %sub3A_794 : i32
        %select_n3A_796 = arith.select %and3A_793, %sub3A_795, %div3A_774 : i32
        %jit3A_797 = arith.constant 2 : i32
        %eq3A_798 = arith.constant 0 : i32
        %eq3A_799 = arith.cmpi eq, %jit3A_797, %eq3A_798 : i32
        %jit3A_800 = arith.constant 1 : i32
        %select_n3A_801 = arith.select %eq3A_799, %jit3A_800, %jit3A_797 : i32
        %rem3A_802 = arith.remsi %add3A_772, %select_n3A_801 : i32
        %ne3A_803 = arith.constant 0 : i32
        %ne3A_804 = arith.cmpi ne, %rem3A_802, %ne3A_803 : i32
        %lt3A_805 = arith.constant 0 : i32
        %lt3A_806 = arith.cmpi slt, %rem3A_802, %lt3A_805 : i32
        %lt3A_807 = arith.constant 0 : i32
        %lt3A_808 = arith.cmpi slt, %select_n3A_801, %lt3A_807 : i32
        %ne3A_809 = arith.xori %lt3A_806, %lt3A_808 : i1
        %and3A_810 = arith.andi %ne3A_809, %ne3A_804 : i1
        %add3A_811 = arith.addi %rem3A_802, %select_n3A_801 : i32
        %select_n3A_812 = arith.select %and3A_810, %add3A_811, %rem3A_802 : i32
        %mul3A_813 = arith.constant 64 : i32
        %mul3A_814 = arith.muli %select_n3A_812, %mul3A_813 : i32
        %dma_start3A_815 = tpu.memref_slice %arg6[%select_n3A_796, %mul3A_814] : memref<77x128xi32, #tpu.memory_space<vmem>> -> memref<1x64xi32, #tpu.memory_space<vmem>>
        %dma_start3A_816 = tpu.memref_squeeze %dma_start3A_815 : memref<1x64xi32, #tpu.memory_space<vmem>> -> memref<64xi32, #tpu.memory_space<vmem>>
        %dma_start3A_817 = arith.constant 0 : i32
        %dma_start3A_818 = arith.constant 0 : i32
        %dma_start3A_819 = arith.constant 0 : i32
        %dma_start3A_820 = tpu.memref_slice %arg3[%dma_start3A_817, %dma_start3A_818, %dma_start3A_819] : memref<49408x1x768xf32, #tpu.memory_space<hbm>> -> memref<49408x1x768xf32, #tpu.memory_space<hbm>>
        tpu.enqueue_indirect_dma source(%dma_start3A_820 : memref<49408x1x768xf32, #tpu.memory_space<hbm>>) target(%arg9 : memref<64x1x768xf32, #tpu.memory_space<vmem>>) offsets(%dma_start3A_816 : memref<64xi32, #tpu.memory_space<vmem>>) semaphore(%arg12 : memref<!tpu.dma_semaphore, #tpu.memory_space<semaphore_mem>>)
      } else {
      }
      %jit3A_110 = arith.constant 2 : i32
      %div3A_111 = arith.divsi %add3A_72, %jit3A_110 : i32
      %sign3A_112 = arith.constant 0 : i32
      %sign3A_113 = arith.cmpi sgt, %add3A_72, %sign3A_112 : i32
      %sign3A_114 = arith.extui %sign3A_113 : i1 to i32
      %sign3A_115 = arith.constant 0 : i32
      %sign3A_116 = arith.cmpi slt, %add3A_72, %sign3A_115 : i32
      %sign3A_117 = arith.extui %sign3A_116 : i1 to i32
      %sign3A_118 = arith.subi %sign3A_114, %sign3A_117 : i32
      %sign3A_119 = arith.constant 0 : i32
      %sign3A_120 = arith.cmpi sgt, %jit3A_110, %sign3A_119 : i32
      %sign3A_121 = arith.extui %sign3A_120 : i1 to i32
      %sign3A_122 = arith.constant 0 : i32
      %sign3A_123 = arith.cmpi slt, %jit3A_110, %sign3A_122 : i32
      %sign3A_124 = arith.extui %sign3A_123 : i1 to i32
      %sign3A_125 = arith.subi %sign3A_121, %sign3A_124 : i32
      %ne3A_126 = arith.cmpi ne, %sign3A_118, %sign3A_125 : i32
      %rem3A_127 = arith.remsi %add3A_72, %jit3A_110 : i32
      %ne3A_128 = arith.constant 0 : i32
      %ne3A_129 = arith.cmpi ne, %rem3A_127, %ne3A_128 : i32
      %and3A_130 = arith.andi %ne3A_126, %ne3A_129 : i1
      %sub3A_131 = arith.constant 1 : i32
      %sub3A_132 = arith.subi %div3A_111, %sub3A_131 : i32
      %select_n3A_133 = arith.select %and3A_130, %sub3A_132, %div3A_111 : i32
      %jit3A_134 = arith.constant 2 : i32
      %eq3A = arith.constant 0 : i32
      %eq3A_135 = arith.cmpi eq, %jit3A_134, %eq3A : i32
      %jit3A_136 = arith.constant 1 : i32
      %select_n3A_137 = arith.select %eq3A_135, %jit3A_136, %jit3A_134 : i32
      %rem3A_138 = arith.remsi %add3A_72, %select_n3A_137 : i32
      %ne3A_139 = arith.constant 0 : i32
      %ne3A_140 = arith.cmpi ne, %rem3A_138, %ne3A_139 : i32
      %lt3A_141 = arith.constant 0 : i32
      %lt3A_142 = arith.cmpi slt, %rem3A_138, %lt3A_141 : i32
      %lt3A_143 = arith.constant 0 : i32
      %lt3A_144 = arith.cmpi slt, %select_n3A_137, %lt3A_143 : i32
      %ne3A_145 = arith.xori %lt3A_142, %lt3A_144 : i1
      %and3A_146 = arith.andi %ne3A_145, %ne3A_140 : i1
      %add3A_147 = arith.addi %rem3A_138, %select_n3A_137 : i32
      %select_n3A_148 = arith.select %and3A_146, %add3A_147, %rem3A_138 : i32
      %mul3A_149 = arith.constant 64 : i32
      %mul3A_150 = arith.muli %select_n3A_148, %mul3A_149 : i32
      %dma_wait3A_151 = tpu.memref_slice %arg6[%select_n3A_133, %mul3A_150] : memref<77x128xi32, #tpu.memory_space<vmem>> -> memref<1x64xi32, #tpu.memory_space<vmem>>
      %dma_wait3A_152 = tpu.memref_squeeze %dma_wait3A_151 : memref<1x64xi32, #tpu.memory_space<vmem>> -> memref<64xi32, #tpu.memory_space<vmem>>
      %dma_wait3A_153 = arith.constant 0 : i32
      %dma_wait3A_154 = arith.constant 0 : i32
      %dma_wait3A_155 = arith.constant 0 : i32
      %dma_wait3A_156 = tpu.memref_slice %arg3[%dma_wait3A_153, %dma_wait3A_154, %dma_wait3A_155] : memref<49408x1x768xf32, #tpu.memory_space<hbm>> -> memref<49408x1x768xf32, #tpu.memory_space<hbm>>
      tpu.wait_indirect_dma semaphore(%arg11 : memref<!tpu.dma_semaphore, #tpu.memory_space<semaphore_mem>>) src(%dma_wait3A_156 : memref<49408x1x768xf32, #tpu.memory_space<hbm>>) dst(%arg8 : memref<64x1x768xf32, #tpu.memory_space<vmem>>)
      %jit3A_157 = arith.constant 2 : i32
      %div3A_158 = arith.divsi %add3A_72, %jit3A_157 : i32
      %sign3A_159 = arith.constant 0 : i32
      %sign3A_160 = arith.cmpi sgt, %add3A_72, %sign3A_159 : i32
      %sign3A_161 = arith.extui %sign3A_160 : i1 to i32
      %sign3A_162 = arith.constant 0 : i32
      %sign3A_163 = arith.cmpi slt, %add3A_72, %sign3A_162 : i32
      %sign3A_164 = arith.extui %sign3A_163 : i1 to i32
      %sign3A_165 = arith.subi %sign3A_161, %sign3A_164 : i32
      %sign3A_166 = arith.constant 0 : i32
      %sign3A_167 = arith.cmpi sgt, %jit3A_157, %sign3A_166 : i32
      %sign3A_168 = arith.extui %sign3A_167 : i1 to i32
      %sign3A_169 = arith.constant 0 : i32
      %sign3A_170 = arith.cmpi slt, %jit3A_157, %sign3A_169 : i32
      %sign3A_171 = arith.extui %sign3A_170 : i1 to i32
      %sign3A_172 = arith.subi %sign3A_168, %sign3A_171 : i32
      %ne3A_173 = arith.cmpi ne, %sign3A_165, %sign3A_172 : i32
      %rem3A_174 = arith.remsi %add3A_72, %jit3A_157 : i32
      %ne3A_175 = arith.constant 0 : i32
      %ne3A_176 = arith.cmpi ne, %rem3A_174, %ne3A_175 : i32
      %and3A_177 = arith.andi %ne3A_173, %ne3A_176 : i1
      %sub3A_178 = arith.constant 1 : i32
      %sub3A_179 = arith.subi %div3A_158, %sub3A_178 : i32
      %select_n3A_180 = arith.select %and3A_177, %sub3A_179, %div3A_158 : i32
      %rem3A_181 = arith.constant 3 : i32
      %rem3A_182 = arith.remsi %select_n3A_180, %rem3A_181 : i32
      %get3A = arith.index_cast %rem3A_182 : i32 to index
      %get3A_183 = arith.constant 0 : index
      %get3A_184 = tpu.vector_load %arg7[%get3A, %get3A_183] {strides = array<i32>} : memref<3x768xf32, #tpu.memory_space<vmem>>, vector<1x16xf32>,
      %get3A_185 = vector.shape_cast %get3A_184 : vector<1x16xf32> to vector<16xf32>
      %get3A_186 = arith.index_cast %rem3A_182 : i32 to index
      %get3A_187 = arith.constant 16 : index
      %get3A_188 = tpu.vector_load %arg7[%get3A_186, %get3A_187] {strides = array<i32>} : memref<3x768xf32, #tpu.memory_space<vmem>>, vector<1x16xf32>,
      %get3A_189 = vector.shape_cast %get3A_188 : vector<1x16xf32> to vector<16xf32>
      %get3A_190 = arith.index_cast %rem3A_182 : i32 to index
      %get3A_191 = arith.constant 32 : index
      %get3A_192 = tpu.vector_load %arg7[%get3A_190, %get3A_191] {strides = array<i32>} : memref<3x768xf32, #tpu.memory_space<vmem>>, vector<1x16xf32>,
      %get3A_193 = vector.shape_cast %get3A_192 : vector<1x16xf32> to vector<16xf32>
      %get3A_194 = arith.index_cast %rem3A_182 : i32 to index
      %get3A_195 = arith.constant 48 : index
      %get3A_196 = tpu.vector_load %arg7[%get3A_194, %get3A_195] {strides = array<i32>} : memref<3x768xf32, #tpu.memory_space<vmem>>, vector<1x16xf32>,
      %get3A_197 = vector.shape_cast %get3A_196 : vector<1x16xf32> to vector<16xf32>
      %get3A_198 = arith.index_cast %rem3A_182 : i32 to index
      %get3A_199 = arith.constant 64 : index
      %get3A_200 = tpu.vector_load %arg7[%get3A_198, %get3A_199] {strides = array<i32>} : memref<3x768xf32, #tpu.memory_space<vmem>>, vector<1x16xf32>,
      %get3A_201 = vector.shape_cast %get3A_200 : vector<1x16xf32> to vector<16xf32>
      %get3A_202 = arith.index_cast %rem3A_182 : i32 to index
      %get3A_203 = arith.constant 80 : index
      %get3A_204 = tpu.vector_load %arg7[%get3A_202, %get3A_203] {strides = array<i32>} : memref<3x768xf32, #tpu.memory_space<vmem>>, vector<1x16xf32>,
      %get3A_205 = vector.shape_cast %get3A_204 : vector<1x16xf32> to vector<16xf32>
      %get3A_206 = arith.index_cast %rem3A_182 : i32 to index
      %get3A_207 = arith.constant 96 : index
      %get3A_208 = tpu.vector_load %arg7[%get3A_206, %get3A_207] {strides = array<i32>} : memref<3x768xf32, #tpu.memory_space<vmem>>, vector<1x16xf32>,
      %get3A_209 = vector.shape_cast %get3A_208 : vector<1x16xf32> to vector<16xf32>
      %get3A_210 = arith.index_cast %rem3A_182 : i32 to index
      %get3A_211 = arith.constant 112 : index
      %get3A_212 = tpu.vector_load %arg7[%get3A_210, %get3A_211] {strides = array<i32>} : memref<3x768xf32, #tpu.memory_space<vmem>>, vector<1x16xf32>,
      %get3A_213 = vector.shape_cast %get3A_212 : vector<1x16xf32> to vector<16xf32>
      %get3A_214 = arith.index_cast %rem3A_182 : i32 to index
      %get3A_215 = arith.constant 128 : index
      %get3A_216 = tpu.vector_load %arg7[%get3A_214, %get3A_215] {strides = array<i32>} : memref<3x768xf32, #tpu.memory_space<vmem>>, vector<1x16xf32>,
      %get3A_217 = vector.shape_cast %get3A_216 : vector<1x16xf32> to vector<16xf32>
      %get3A_218 = arith.index_cast %rem3A_182 : i32 to index
      %get3A_219 = arith.constant 144 : index
      %get3A_220 = tpu.vector_load %arg7[%get3A_218, %get3A_219] {strides = array<i32>} : memref<3x768xf32, #tpu.memory_space<vmem>>, vector<1x16xf32>,
      %get3A_221 = vector.shape_cast %get3A_220 : vector<1x16xf32> to vector<16xf32>
      %get3A_222 = arith.index_cast %rem3A_182 : i32 to index
      %get3A_223 = arith.constant 160 : index
      %get3A_224 = tpu.vector_load %arg7[%get3A_222, %get3A_223] {strides = array<i32>} : memref<3x768xf32, #tpu.memory_space<vmem>>, vector<1x16xf32>,
      %get3A_225 = vector.shape_cast %get3A_224 : vector<1x16xf32> to vector<16xf32>
      %get3A_226 = arith.index_cast %rem3A_182 : i32 to index
      %get3A_227 = arith.constant 176 : index
      %get3A_228 = tpu.vector_load %arg7[%get3A_226, %get3A_227] {strides = array<i32>} : memref<3x768xf32, #tpu.memory_space<vmem>>, vector<1x16xf32>,
      %get3A_229 = vector.shape_cast %get3A_228 : vector<1x16xf32> to vector<16xf32>
      %get3A_230 = arith.index_cast %rem3A_182 : i32 to index
      %get3A_231 = arith.constant 192 : index
      %get3A_232 = tpu.vector_load %arg7[%get3A_230, %get3A_231] {strides = array<i32>} : memref<3x768xf32, #tpu.memory_space<vmem>>, vector<1x16xf32>,
      %get3A_233 = vector.shape_cast %get3A_232 : vector<1x16xf32> to vector<16xf32>
      %get3A_234 = arith.index_cast %rem3A_182 : i32 to index
      %get3A_235 = arith.constant 208 : index
      %get3A_236 = tpu.vector_load %arg7[%get3A_234, %get3A_235] {strides = array<i32>} : memref<3x768xf32, #tpu.memory_space<vmem>>, vector<1x16xf32>,
      %get3A_237 = vector.shape_cast %get3A_236 : vector<1x16xf32> to vector<16xf32>
      %get3A_238 = arith.index_cast %rem3A_182 : i32 to index
      %get3A_239 = arith.constant 224 : index
      %get3A_240 = tpu.vector_load %arg7[%get3A_238, %get3A_239] {strides = array<i32>} : memref<3x768xf32, #tpu.memory_space<vmem>>, vector<1x16xf32>,
      %get3A_241 = vector.shape_cast %get3A_240 : vector<1x16xf32> to vector<16xf32>
      %get3A_242 = arith.index_cast %rem3A_182 : i32 to index
      %get3A_243 = arith.constant 240 : index
      %get3A_244 = tpu.vector_load %arg7[%get3A_242, %get3A_243] {strides = array<i32>} : memref<3x768xf32, #tpu.memory_space<vmem>>, vector<1x16xf32>,
      %get3A_245 = vector.shape_cast %get3A_244 : vector<1x16xf32> to vector<16xf32>
      %get3A_246 = arith.index_cast %rem3A_182 : i32 to index
      %get3A_247 = arith.constant 256 : index
      %get3A_248 = tpu.vector_load %arg7[%get3A_246, %get3A_247] {strides = array<i32>} : memref<3x768xf32, #tpu.memory_space<vmem>>, vector<1x16xf32>,
      %get3A_249 = vector.shape_cast %get3A_248 : vector<1x16xf32> to vector<16xf32>
      %get3A_250 = arith.index_cast %rem3A_182 : i32 to index
      %get3A_251 = arith.constant 272 : index
      %get3A_252 = tpu.vector_load %arg7[%get3A_250, %get3A_251] {strides = array<i32>} : memref<3x768xf32, #tpu.memory_space<vmem>>, vector<1x16xf32>,
      %get3A_253 = vector.shape_cast %get3A_252 : vector<1x16xf32> to vector<16xf32>
      %get3A_254 = arith.index_cast %rem3A_182 : i32 to index
      %get3A_255 = arith.constant 288 : index
      %get3A_256 = tpu.vector_load %arg7[%get3A_254, %get3A_255] {strides = array<i32>} : memref<3x768xf32, #tpu.memory_space<vmem>>, vector<1x16xf32>,
      %get3A_257 = vector.shape_cast %get3A_256 : vector<1x16xf32> to vector<16xf32>
      %get3A_258 = arith.index_cast %rem3A_182 : i32 to index
      %get3A_259 = arith.constant 304 : index
      %get3A_260 = tpu.vector_load %arg7[%get3A_258, %get3A_259] {strides = array<i32>} : memref<3x768xf32, #tpu.memory_space<vmem>>, vector<1x16xf32>,
      %get3A_261 = vector.shape_cast %get3A_260 : vector<1x16xf32> to vector<16xf32>
      %get3A_262 = arith.index_cast %rem3A_182 : i32 to index
      %get3A_263 = arith.constant 320 : index
      %get3A_264 = tpu.vector_load %arg7[%get3A_262, %get3A_263] {strides = array<i32>} : memref<3x768xf32, #tpu.memory_space<vmem>>, vector<1x16xf32>,
      %get3A_265 = vector.shape_cast %get3A_264 : vector<1x16xf32> to vector<16xf32>
      %get3A_266 = arith.index_cast %rem3A_182 : i32 to index
      %get3A_267 = arith.constant 336 : index
      %get3A_268 = tpu.vector_load %arg7[%get3A_266, %get3A_267] {strides = array<i32>} : memref<3x768xf32, #tpu.memory_space<vmem>>, vector<1x16xf32>,
      %get3A_269 = vector.shape_cast %get3A_268 : vector<1x16xf32> to vector<16xf32>
      %get3A_270 = arith.index_cast %rem3A_182 : i32 to index
      %get3A_271 = arith.constant 352 : index
      %get3A_272 = tpu.vector_load %arg7[%get3A_270, %get3A_271] {strides = array<i32>} : memref<3x768xf32, #tpu.memory_space<vmem>>, vector<1x16xf32>,
      %get3A_273 = vector.shape_cast %get3A_272 : vector<1x16xf32> to vector<16xf32>
      %get3A_274 = arith.index_cast %rem3A_182 : i32 to index
      %get3A_275 = arith.constant 368 : index
      %get3A_276 = tpu.vector_load %arg7[%get3A_274, %get3A_275] {strides = array<i32>} : memref<3x768xf32, #tpu.memory_space<vmem>>, vector<1x16xf32>,
      %get3A_277 = vector.shape_cast %get3A_276 : vector<1x16xf32> to vector<16xf32>
      %scan3A_278 = arith.constant 0 : i32
      %scan3A_279 = arith.constant 64 : i32
      %scan3A_280 = arith.addi %scan3A_278, %scan3A_279 : i32
      %scan3A_281 = arith.constant 1 : i32
      scf.for %scan3A_771 = %scan3A_278 to %scan3A_280 step %scan3A_281  : i32 {
        %swap3A = arith.constant 0 : i32
        %swap3A_772 = arith.index_cast %scan3A_771 : i32 to index
        %swap3A_773 = arith.index_cast %swap3A : i32 to index
        %swap3A_774 = arith.constant 0 : index
        %swap3A_775 = tpu.vector_load %arg8[%swap3A_772, %swap3A_773, %swap3A_774] {strides = array<i32>} : memref<64x1x768xf32, #tpu.memory_space<vmem>>, vector<1x1x16xf32>,
        %swap3A_776 = vector.shape_cast %swap3A_775 : vector<1x1x16xf32> to vector<16xf32>
        %swap3A_777 = vector.shape_cast %get3A_185 : vector<16xf32> to vector<1x1x16xf32>
        tpu.vector_store %arg8[%swap3A_772, %swap3A_773, %swap3A_774], %swap3A_777 {add = true, strides = array<i32>} : memref<64x1x768xf32, #tpu.memory_space<vmem>>, vector<1x1x16xf32>,
        %swap3A_778 = arith.constant 0 : i32
        %swap3A_779 = arith.index_cast %scan3A_771 : i32 to index
        %swap3A_780 = arith.index_cast %swap3A_778 : i32 to index
        %swap3A_781 = arith.constant 16 : index
        %swap3A_782 = tpu.vector_load %arg8[%swap3A_779, %swap3A_780, %swap3A_781] {strides = array<i32>} : memref<64x1x768xf32, #tpu.memory_space<vmem>>, vector<1x1x16xf32>,
        %swap3A_783 = vector.shape_cast %swap3A_782 : vector<1x1x16xf32> to vector<16xf32>
        %swap3A_784 = vector.shape_cast %get3A_189 : vector<16xf32> to vector<1x1x16xf32>
        tpu.vector_store %arg8[%swap3A_779, %swap3A_780, %swap3A_781], %swap3A_784 {add = true, strides = array<i32>} : memref<64x1x768xf32, #tpu.memory_space<vmem>>, vector<1x1x16xf32>,
        %swap3A_785 = arith.constant 0 : i32
        %swap3A_786 = arith.index_cast %scan3A_771 : i32 to index
        %swap3A_787 = arith.index_cast %swap3A_785 : i32 to index
        %swap3A_788 = arith.constant 32 : index
        %swap3A_789 = tpu.vector_load %arg8[%swap3A_786, %swap3A_787, %swap3A_788] {strides = array<i32>} : memref<64x1x768xf32, #tpu.memory_space<vmem>>, vector<1x1x16xf32>,
        %swap3A_790 = vector.shape_cast %swap3A_789 : vector<1x1x16xf32> to vector<16xf32>
        %swap3A_791 = vector.shape_cast %get3A_193 : vector<16xf32> to vector<1x1x16xf32>
        tpu.vector_store %arg8[%swap3A_786, %swap3A_787, %swap3A_788], %swap3A_791 {add = true, strides = array<i32>} : memref<64x1x768xf32, #tpu.memory_space<vmem>>, vector<1x1x16xf32>,
        %swap3A_792 = arith.constant 0 : i32
        %swap3A_793 = arith.index_cast %scan3A_771 : i32 to index
        %swap3A_794 = arith.index_cast %swap3A_792 : i32 to index
        %swap3A_795 = arith.constant 48 : index
        %swap3A_796 = tpu.vector_load %arg8[%swap3A_793, %swap3A_794, %swap3A_795] {strides = array<i32>} : memref<64x1x768xf32, #tpu.memory_space<vmem>>, vector<1x1x16xf32>,
        %swap3A_797 = vector.shape_cast %swap3A_796 : vector<1x1x16xf32> to vector<16xf32>
        %swap3A_798 = vector.shape_cast %get3A_197 : vector<16xf32> to vector<1x1x16xf32>
        tpu.vector_store %arg8[%swap3A_793, %swap3A_794, %swap3A_795], %swap3A_798 {add = true, strides = array<i32>} : memref<64x1x768xf32, #tpu.memory_space<vmem>>, vector<1x1x16xf32>,
        %swap3A_799 = arith.constant 0 : i32
        %swap3A_800 = arith.index_cast %scan3A_771 : i32 to index
        %swap3A_801 = arith.index_cast %swap3A_799 : i32 to index
        %swap3A_802 = arith.constant 64 : index
        %swap3A_803 = tpu.vector_load %arg8[%swap3A_800, %swap3A_801, %swap3A_802] {strides = array<i32>} : memref<64x1x768xf32, #tpu.memory_space<vmem>>, vector<1x1x16xf32>,
        %swap3A_804 = vector.shape_cast %swap3A_803 : vector<1x1x16xf32> to vector<16xf32>
        %swap3A_805 = vector.shape_cast %get3A_201 : vector<16xf32> to vector<1x1x16xf32>
        tpu.vector_store %arg8[%swap3A_800, %swap3A_801, %swap3A_802], %swap3A_805 {add = true, strides = array<i32>} : memref<64x1x768xf32, #tpu.memory_space<vmem>>, vector<1x1x16xf32>,
        %swap3A_806 = arith.constant 0 : i32
        %swap3A_807 = arith.index_cast %scan3A_771 : i32 to index
        %swap3A_808 = arith.index_cast %swap3A_806 : i32 to index
        %swap3A_809 = arith.constant 80 : index
        %swap3A_810 = tpu.vector_load %arg8[%swap3A_807, %swap3A_808, %swap3A_809] {strides = array<i32>} : memref<64x1x768xf32, #tpu.memory_space<vmem>>, vector<1x1x16xf32>,
        %swap3A_811 = vector.shape_cast %swap3A_810 : vector<1x1x16xf32> to vector<16xf32>
        %swap3A_812 = vector.shape_cast %get3A_205 : vector<16xf32> to vector<1x1x16xf32>
        tpu.vector_store %arg8[%swap3A_807, %swap3A_808, %swap3A_809], %swap3A_812 {add = true, strides = array<i32>} : memref<64x1x768xf32, #tpu.memory_space<vmem>>, vector<1x1x16xf32>,
        %swap3A_813 = arith.constant 0 : i32
        %swap3A_814 = arith.index_cast %scan3A_771 : i32 to index
        %swap3A_815 = arith.index_cast %swap3A_813 : i32 to index
        %swap3A_816 = arith.constant 96 : index
        %swap3A_817 = tpu.vector_load %arg8[%swap3A_814, %swap3A_815, %swap3A_816] {strides = array<i32>} : memref<64x1x768xf32, #tpu.memory_space<vmem>>, vector<1x1x16xf32>,
        %swap3A_818 = vector.shape_cast %swap3A_817 : vector<1x1x16xf32> to vector<16xf32>
        %swap3A_819 = vector.shape_cast %get3A_209 : vector<16xf32> to vector<1x1x16xf32>
        tpu.vector_store %arg8[%swap3A_814, %swap3A_815, %swap3A_816], %swap3A_819 {add = true, strides = array<i32>} : memref<64x1x768xf32, #tpu.memory_space<vmem>>, vector<1x1x16xf32>,
        %swap3A_820 = arith.constant 0 : i32
        %swap3A_821 = arith.index_cast %scan3A_771 : i32 to index
        %swap3A_822 = arith.index_cast %swap3A_820 : i32 to index
        %swap3A_823 = arith.constant 112 : index
        %swap3A_824 = tpu.vector_load %arg8[%swap3A_821, %swap3A_822, %swap3A_823] {strides = array<i32>} : memref<64x1x768xf32, #tpu.memory_space<vmem>>, vector<1x1x16xf32>,
        %swap3A_825 = vector.shape_cast %swap3A_824 : vector<1x1x16xf32> to vector<16xf32>
        %swap3A_826 = vector.shape_cast %get3A_213 : vector<16xf32> to vector<1x1x16xf32>
        tpu.vector_store %arg8[%swap3A_821, %swap3A_822, %swap3A_823], %swap3A_826 {add = true, strides = array<i32>} : memref<64x1x768xf32, #tpu.memory_space<vmem>>, vector<1x1x16xf32>,
        %swap3A_827 = arith.constant 0 : i32
        %swap3A_828 = arith.index_cast %scan3A_771 : i32 to index
        %swap3A_829 = arith.index_cast %swap3A_827 : i32 to index
        %swap3A_830 = arith.constant 128 : index
        %swap3A_831 = tpu.vector_load %arg8[%swap3A_828, %swap3A_829, %swap3A_830] {strides = array<i32>} : memref<64x1x768xf32, #tpu.memory_space<vmem>>, vector<1x1x16xf32>,
        %swap3A_832 = vector.shape_cast %swap3A_831 : vector<1x1x16xf32> to vector<16xf32>
        %swap3A_833 = vector.shape_cast %get3A_217 : vector<16xf32> to vector<1x1x16xf32>
        tpu.vector_store %arg8[%swap3A_828, %swap3A_829, %swap3A_830], %swap3A_833 {add = true, strides = array<i32>} : memref<64x1x768xf32, #tpu.memory_space<vmem>>, vector<1x1x16xf32>,
        %swap3A_834 = arith.constant 0 : i32
        %swap3A_835 = arith.index_cast %scan3A_771 : i32 to index
        %swap3A_836 = arith.index_cast %swap3A_834 : i32 to index
        %swap3A_837 = arith.constant 144 : index
        %swap3A_838 = tpu.vector_load %arg8[%swap3A_835, %swap3A_836, %swap3A_837] {strides = array<i32>} : memref<64x1x768xf32, #tpu.memory_space<vmem>>, vector<1x1x16xf32>,
        %swap3A_839 = vector.shape_cast %swap3A_838 : vector<1x1x16xf32> to vector<16xf32>
        %swap3A_840 = vector.shape_cast %get3A_221 : vector<16xf32> to vector<1x1x16xf32>
        tpu.vector_store %arg8[%swap3A_835, %swap3A_836, %swap3A_837], %swap3A_840 {add = true, strides = array<i32>} : memref<64x1x768xf32, #tpu.memory_space<vmem>>, vector<1x1x16xf32>,
        %swap3A_841 = arith.constant 0 : i32
        %swap3A_842 = arith.index_cast %scan3A_771 : i32 to index
        %swap3A_843 = arith.index_cast %swap3A_841 : i32 to index
        %swap3A_844 = arith.constant 160 : index
        %swap3A_845 = tpu.vector_load %arg8[%swap3A_842, %swap3A_843, %swap3A_844] {strides = array<i32>} : memref<64x1x768xf32, #tpu.memory_space<vmem>>, vector<1x1x16xf32>,
        %swap3A_846 = vector.shape_cast %swap3A_845 : vector<1x1x16xf32> to vector<16xf32>
        %swap3A_847 = vector.shape_cast %get3A_225 : vector<16xf32> to vector<1x1x16xf32>
        tpu.vector_store %arg8[%swap3A_842, %swap3A_843, %swap3A_844], %swap3A_847 {add = true, strides = array<i32>} : memref<64x1x768xf32, #tpu.memory_space<vmem>>, vector<1x1x16xf32>,
        %swap3A_848 = arith.constant 0 : i32
        %swap3A_849 = arith.index_cast %scan3A_771 : i32 to index
        %swap3A_850 = arith.index_cast %swap3A_848 : i32 to index
        %swap3A_851 = arith.constant 176 : index
        %swap3A_852 = tpu.vector_load %arg8[%swap3A_849, %swap3A_850, %swap3A_851] {strides = array<i32>} : memref<64x1x768xf32, #tpu.memory_space<vmem>>, vector<1x1x16xf32>,
        %swap3A_853 = vector.shape_cast %swap3A_852 : vector<1x1x16xf32> to vector<16xf32>
        %swap3A_854 = vector.shape_cast %get3A_229 : vector<16xf32> to vector<1x1x16xf32>
        tpu.vector_store %arg8[%swap3A_849, %swap3A_850, %swap3A_851], %swap3A_854 {add = true, strides = array<i32>} : memref<64x1x768xf32, #tpu.memory_space<vmem>>, vector<1x1x16xf32>,
        %swap3A_855 = arith.constant 0 : i32
        %swap3A_856 = arith.index_cast %scan3A_771 : i32 to index
        %swap3A_857 = arith.index_cast %swap3A_855 : i32 to index
        %swap3A_858 = arith.constant 192 : index
        %swap3A_859 = tpu.vector_load %arg8[%swap3A_856, %swap3A_857, %swap3A_858] {strides = array<i32>} : memref<64x1x768xf32, #tpu.memory_space<vmem>>, vector<1x1x16xf32>,
        %swap3A_860 = vector.shape_cast %swap3A_859 : vector<1x1x16xf32> to vector<16xf32>
        %swap3A_861 = vector.shape_cast %get3A_233 : vector<16xf32> to vector<1x1x16xf32>
        tpu.vector_store %arg8[%swap3A_856, %swap3A_857, %swap3A_858], %swap3A_861 {add = true, strides = array<i32>} : memref<64x1x768xf32, #tpu.memory_space<vmem>>, vector<1x1x16xf32>,
        %swap3A_862 = arith.constant 0 : i32
        %swap3A_863 = arith.index_cast %scan3A_771 : i32 to index
        %swap3A_864 = arith.index_cast %swap3A_862 : i32 to index
        %swap3A_865 = arith.constant 208 : index
        %swap3A_866 = tpu.vector_load %arg8[%swap3A_863, %swap3A_864, %swap3A_865] {strides = array<i32>} : memref<64x1x768xf32, #tpu.memory_space<vmem>>, vector<1x1x16xf32>,
        %swap3A_867 = vector.shape_cast %swap3A_866 : vector<1x1x16xf32> to vector<16xf32>
        %swap3A_868 = vector.shape_cast %get3A_237 : vector<16xf32> to vector<1x1x16xf32>
        tpu.vector_store %arg8[%swap3A_863, %swap3A_864, %swap3A_865], %swap3A_868 {add = true, strides = array<i32>} : memref<64x1x768xf32, #tpu.memory_space<vmem>>, vector<1x1x16xf32>,
        %swap3A_869 = arith.constant 0 : i32
        %swap3A_870 = arith.index_cast %scan3A_771 : i32 to index
        %swap3A_871 = arith.index_cast %swap3A_869 : i32 to index
        %swap3A_872 = arith.constant 224 : index
        %swap3A_873 = tpu.vector_load %arg8[%swap3A_870, %swap3A_871, %swap3A_872] {strides = array<i32>} : memref<64x1x768xf32, #tpu.memory_space<vmem>>, vector<1x1x16xf32>,
        %swap3A_874 = vector.shape_cast %swap3A_873 : vector<1x1x16xf32> to vector<16xf32>
        %swap3A_875 = vector.shape_cast %get3A_241 : vector<16xf32> to vector<1x1x16xf32>
        tpu.vector_store %arg8[%swap3A_870, %swap3A_871, %swap3A_872], %swap3A_875 {add = true, strides = array<i32>} : memref<64x1x768xf32, #tpu.memory_space<vmem>>, vector<1x1x16xf32>,
        %swap3A_876 = arith.constant 0 : i32
        %swap3A_877 = arith.index_cast %scan3A_771 : i32 to index
        %swap3A_878 = arith.index_cast %swap3A_876 : i32 to index
        %swap3A_879 = arith.constant 240 : index
        %swap3A_880 = tpu.vector_load %arg8[%swap3A_877, %swap3A_878, %swap3A_879] {strides = array<i32>} : memref<64x1x768xf32, #tpu.memory_space<vmem>>, vector<1x1x16xf32>,
        %swap3A_881 = vector.shape_cast %swap3A_880 : vector<1x1x16xf32> to vector<16xf32>
        %swap3A_882 = vector.shape_cast %get3A_245 : vector<16xf32> to vector<1x1x16xf32>
        tpu.vector_store %arg8[%swap3A_877, %swap3A_878, %swap3A_879], %swap3A_882 {add = true, strides = array<i32>} : memref<64x1x768xf32, #tpu.memory_space<vmem>>, vector<1x1x16xf32>,
        %swap3A_883 = arith.constant 0 : i32
        %swap3A_884 = arith.index_cast %scan3A_771 : i32 to index
        %swap3A_885 = arith.index_cast %swap3A_883 : i32 to index
        %swap3A_886 = arith.constant 256 : index
        %swap3A_887 = tpu.vector_load %arg8[%swap3A_884, %swap3A_885, %swap3A_886] {strides = array<i32>} : memref<64x1x768xf32, #tpu.memory_space<vmem>>, vector<1x1x16xf32>,
        %swap3A_888 = vector.shape_cast %swap3A_887 : vector<1x1x16xf32> to vector<16xf32>
        %swap3A_889 = vector.shape_cast %get3A_249 : vector<16xf32> to vector<1x1x16xf32>
        tpu.vector_store %arg8[%swap3A_884, %swap3A_885, %swap3A_886], %swap3A_889 {add = true, strides = array<i32>} : memref<64x1x768xf32, #tpu.memory_space<vmem>>, vector<1x1x16xf32>,
        %swap3A_890 = arith.constant 0 : i32
        %swap3A_891 = arith.index_cast %scan3A_771 : i32 to index
        %swap3A_892 = arith.index_cast %swap3A_890 : i32 to index
        %swap3A_893 = arith.constant 272 : index
        %swap3A_894 = tpu.vector_load %arg8[%swap3A_891, %swap3A_892, %swap3A_893] {strides = array<i32>} : memref<64x1x768xf32, #tpu.memory_space<vmem>>, vector<1x1x16xf32>,
        %swap3A_895 = vector.shape_cast %swap3A_894 : vector<1x1x16xf32> to vector<16xf32>
        %swap3A_896 = vector.shape_cast %get3A_253 : vector<16xf32> to vector<1x1x16xf32>
        tpu.vector_store %arg8[%swap3A_891, %swap3A_892, %swap3A_893], %swap3A_896 {add = true, strides = array<i32>} : memref<64x1x768xf32, #tpu.memory_space<vmem>>, vector<1x1x16xf32>,
        %swap3A_897 = arith.constant 0 : i32
        %swap3A_898 = arith.index_cast %scan3A_771 : i32 to index
        %swap3A_899 = arith.index_cast %swap3A_897 : i32 to index
        %swap3A_900 = arith.constant 288 : index
        %swap3A_901 = tpu.vector_load %arg8[%swap3A_898, %swap3A_899, %swap3A_900] {strides = array<i32>} : memref<64x1x768xf32, #tpu.memory_space<vmem>>, vector<1x1x16xf32>,
        %swap3A_902 = vector.shape_cast %swap3A_901 : vector<1x1x16xf32> to vector<16xf32>
        %swap3A_903 = vector.shape_cast %get3A_257 : vector<16xf32> to vector<1x1x16xf32>
        tpu.vector_store %arg8[%swap3A_898, %swap3A_899, %swap3A_900], %swap3A_903 {add = true, strides = array<i32>} : memref<64x1x768xf32, #tpu.memory_space<vmem>>, vector<1x1x16xf32>,
        %swap3A_904 = arith.constant 0 : i32
        %swap3A_905 = arith.index_cast %scan3A_771 : i32 to index
        %swap3A_906 = arith.index_cast %swap3A_904 : i32 to index
        %swap3A_907 = arith.constant 304 : index
        %swap3A_908 = tpu.vector_load %arg8[%swap3A_905, %swap3A_906, %swap3A_907] {strides = array<i32>} : memref<64x1x768xf32, #tpu.memory_space<vmem>>, vector<1x1x16xf32>,
        %swap3A_909 = vector.shape_cast %swap3A_908 : vector<1x1x16xf32> to vector<16xf32>
        %swap3A_910 = vector.shape_cast %get3A_261 : vector<16xf32> to vector<1x1x16xf32>
        tpu.vector_store %arg8[%swap3A_905, %swap3A_906, %swap3A_907], %swap3A_910 {add = true, strides = array<i32>} : memref<64x1x768xf32, #tpu.memory_space<vmem>>, vector<1x1x16xf32>,
        %swap3A_911 = arith.constant 0 : i32
        %swap3A_912 = arith.index_cast %scan3A_771 : i32 to index
        %swap3A_913 = arith.index_cast %swap3A_911 : i32 to index
        %swap3A_914 = arith.constant 320 : index
        %swap3A_915 = tpu.vector_load %arg8[%swap3A_912, %swap3A_913, %swap3A_914] {strides = array<i32>} : memref<64x1x768xf32, #tpu.memory_space<vmem>>, vector<1x1x16xf32>,
        %swap3A_916 = vector.shape_cast %swap3A_915 : vector<1x1x16xf32> to vector<16xf32>
        %swap3A_917 = vector.shape_cast %get3A_265 : vector<16xf32> to vector<1x1x16xf32>
        tpu.vector_store %arg8[%swap3A_912, %swap3A_913, %swap3A_914], %swap3A_917 {add = true, strides = array<i32>} : memref<64x1x768xf32, #tpu.memory_space<vmem>>, vector<1x1x16xf32>,
        %swap3A_918 = arith.constant 0 : i32
        %swap3A_919 = arith.index_cast %scan3A_771 : i32 to index
        %swap3A_920 = arith.index_cast %swap3A_918 : i32 to index
        %swap3A_921 = arith.constant 336 : index
        %swap3A_922 = tpu.vector_load %arg8[%swap3A_919, %swap3A_920, %swap3A_921] {strides = array<i32>} : memref<64x1x768xf32, #tpu.memory_space<vmem>>, vector<1x1x16xf32>,
        %swap3A_923 = vector.shape_cast %swap3A_922 : vector<1x1x16xf32> to vector<16xf32>
        %swap3A_924 = vector.shape_cast %get3A_269 : vector<16xf32> to vector<1x1x16xf32>
        tpu.vector_store %arg8[%swap3A_919, %swap3A_920, %swap3A_921], %swap3A_924 {add = true, strides = array<i32>} : memref<64x1x768xf32, #tpu.memory_space<vmem>>, vector<1x1x16xf32>,
        %swap3A_925 = arith.constant 0 : i32
        %swap3A_926 = arith.index_cast %scan3A_771 : i32 to index
        %swap3A_927 = arith.index_cast %swap3A_925 : i32 to index
        %swap3A_928 = arith.constant 352 : index
        %swap3A_929 = tpu.vector_load %arg8[%swap3A_926, %swap3A_927, %swap3A_928] {strides = array<i32>} : memref<64x1x768xf32, #tpu.memory_space<vmem>>, vector<1x1x16xf32>,
        %swap3A_930 = vector.shape_cast %swap3A_929 : vector<1x1x16xf32> to vector<16xf32>
        %swap3A_931 = vector.shape_cast %get3A_273 : vector<16xf32> to vector<1x1x16xf32>
        tpu.vector_store %arg8[%swap3A_926, %swap3A_927, %swap3A_928], %swap3A_931 {add = true, strides = array<i32>} : memref<64x1x768xf32, #tpu.memory_space<vmem>>, vector<1x1x16xf32>,
        %swap3A_932 = arith.constant 0 : i32
        %swap3A_933 = arith.index_cast %scan3A_771 : i32 to index
        %swap3A_934 = arith.index_cast %swap3A_932 : i32 to index
        %swap3A_935 = arith.constant 368 : index
        %swap3A_936 = tpu.vector_load %arg8[%swap3A_933, %swap3A_934, %swap3A_935] {strides = array<i32>} : memref<64x1x768xf32, #tpu.memory_space<vmem>>, vector<1x1x16xf32>,
        %swap3A_937 = vector.shape_cast %swap3A_936 : vector<1x1x16xf32> to vector<16xf32>
        %swap3A_938 = vector.shape_cast %get3A_277 : vector<16xf32> to vector<1x1x16xf32>
        tpu.vector_store %arg8[%swap3A_933, %swap3A_934, %swap3A_935], %swap3A_938 {add = true, strides = array<i32>} : memref<64x1x768xf32, #tpu.memory_space<vmem>>, vector<1x1x16xf32>,
      }
      %scan3A_282 = arith.constant 64 : i32
      %get3A_283 = arith.index_cast %rem3A_182 : i32 to index
      %get3A_284 = arith.constant 384 : index
      %get3A_285 = tpu.vector_load %arg7[%get3A_283, %get3A_284] {strides = array<i32>} : memref<3x768xf32, #tpu.memory_space<vmem>>, vector<1x16xf32>,
      %get3A_286 = vector.shape_cast %get3A_285 : vector<1x16xf32> to vector<16xf32>
      %get3A_287 = arith.index_cast %rem3A_182 : i32 to index
      %get3A_288 = arith.constant 400 : index
      %get3A_289 = tpu.vector_load %arg7[%get3A_287, %get3A_288] {strides = array<i32>} : memref<3x768xf32, #tpu.memory_space<vmem>>, vector<1x16xf32>,
      %get3A_290 = vector.shape_cast %get3A_289 : vector<1x16xf32> to vector<16xf32>
      %get3A_291 = arith.index_cast %rem3A_182 : i32 to index
      %get3A_292 = arith.constant 416 : index
      %get3A_293 = tpu.vector_load %arg7[%get3A_291, %get3A_292] {strides = array<i32>} : memref<3x768xf32, #tpu.memory_space<vmem>>, vector<1x16xf32>,
      %get3A_294 = vector.shape_cast %get3A_293 : vector<1x16xf32> to vector<16xf32>
      %get3A_295 = arith.index_cast %rem3A_182 : i32 to index
      %get3A_296 = arith.constant 432 : index
      %get3A_297 = tpu.vector_load %arg7[%get3A_295, %get3A_296] {strides = array<i32>} : memref<3x768xf32, #tpu.memory_space<vmem>>, vector<1x16xf32>,
      %get3A_298 = vector.shape_cast %get3A_297 : vector<1x16xf32> to vector<16xf32>
      %get3A_299 = arith.index_cast %rem3A_182 : i32 to index
      %get3A_300 = arith.constant 448 : index
      %get3A_301 = tpu.vector_load %arg7[%get3A_299, %get3A_300] {strides = array<i32>} : memref<3x768xf32, #tpu.memory_space<vmem>>, vector<1x16xf32>,
      %get3A_302 = vector.shape_cast %get3A_301 : vector<1x16xf32> to vector<16xf32>
      %get3A_303 = arith.index_cast %rem3A_182 : i32 to index
      %get3A_304 = arith.constant 464 : index
      %get3A_305 = tpu.vector_load %arg7[%get3A_303, %get3A_304] {strides = array<i32>} : memref<3x768xf32, #tpu.memory_space<vmem>>, vector<1x16xf32>,
      %get3A_306 = vector.shape_cast %get3A_305 : vector<1x16xf32> to vector<16xf32>
      %get3A_307 = arith.index_cast %rem3A_182 : i32 to index
      %get3A_308 = arith.constant 480 : index
      %get3A_309 = tpu.vector_load %arg7[%get3A_307, %get3A_308] {strides = array<i32>} : memref<3x768xf32, #tpu.memory_space<vmem>>, vector<1x16xf32>,
      %get3A_310 = vector.shape_cast %get3A_309 : vector<1x16xf32> to vector<16xf32>
      %get3A_311 = arith.index_cast %rem3A_182 : i32 to index
      %get3A_312 = arith.constant 496 : index
      %get3A_313 = tpu.vector_load %arg7[%get3A_311, %get3A_312] {strides = array<i32>} : memref<3x768xf32, #tpu.memory_space<vmem>>, vector<1x16xf32>,
      %get3A_314 = vector.shape_cast %get3A_313 : vector<1x16xf32> to vector<16xf32>
      %get3A_315 = arith.index_cast %rem3A_182 : i32 to index
      %get3A_316 = arith.constant 512 : index
      %get3A_317 = tpu.vector_load %arg7[%get3A_315, %get3A_316] {strides = array<i32>} : memref<3x768xf32, #tpu.memory_space<vmem>>, vector<1x16xf32>,
      %get3A_318 = vector.shape_cast %get3A_317 : vector<1x16xf32> to vector<16xf32>
      %get3A_319 = arith.index_cast %rem3A_182 : i32 to index
      %get3A_320 = arith.constant 528 : index
      %get3A_321 = tpu.vector_load %arg7[%get3A_319, %get3A_320] {strides = array<i32>} : memref<3x768xf32, #tpu.memory_space<vmem>>, vector<1x16xf32>,
      %get3A_322 = vector.shape_cast %get3A_321 : vector<1x16xf32> to vector<16xf32>
      %get3A_323 = arith.index_cast %rem3A_182 : i32 to index
      %get3A_324 = arith.constant 544 : index
      %get3A_325 = tpu.vector_load %arg7[%get3A_323, %get3A_324] {strides = array<i32>} : memref<3x768xf32, #tpu.memory_space<vmem>>, vector<1x16xf32>,
      %get3A_326 = vector.shape_cast %get3A_325 : vector<1x16xf32> to vector<16xf32>
      %get3A_327 = arith.index_cast %rem3A_182 : i32 to index
      %get3A_328 = arith.constant 560 : index
      %get3A_329 = tpu.vector_load %arg7[%get3A_327, %get3A_328] {strides = array<i32>} : memref<3x768xf32, #tpu.memory_space<vmem>>, vector<1x16xf32>,
      %get3A_330 = vector.shape_cast %get3A_329 : vector<1x16xf32> to vector<16xf32>
      %get3A_331 = arith.index_cast %rem3A_182 : i32 to index
      %get3A_332 = arith.constant 576 : index
      %get3A_333 = tpu.vector_load %arg7[%get3A_331, %get3A_332] {strides = array<i32>} : memref<3x768xf32, #tpu.memory_space<vmem>>, vector<1x16xf32>,
      %get3A_334 = vector.shape_cast %get3A_333 : vector<1x16xf32> to vector<16xf32>
      %get3A_335 = arith.index_cast %rem3A_182 : i32 to index
      %get3A_336 = arith.constant 592 : index
      %get3A_337 = tpu.vector_load %arg7[%get3A_335, %get3A_336] {strides = array<i32>} : memref<3x768xf32, #tpu.memory_space<vmem>>, vector<1x16xf32>,
      %get3A_338 = vector.shape_cast %get3A_337 : vector<1x16xf32> to vector<16xf32>
      %get3A_339 = arith.index_cast %rem3A_182 : i32 to index
      %get3A_340 = arith.constant 608 : index
      %get3A_341 = tpu.vector_load %arg7[%get3A_339, %get3A_340] {strides = array<i32>} : memref<3x768xf32, #tpu.memory_space<vmem>>, vector<1x16xf32>,
      %get3A_342 = vector.shape_cast %get3A_341 : vector<1x16xf32> to vector<16xf32>
      %get3A_343 = arith.index_cast %rem3A_182 : i32 to index
      %get3A_344 = arith.constant 624 : index
      %get3A_345 = tpu.vector_load %arg7[%get3A_343, %get3A_344] {strides = array<i32>} : memref<3x768xf32, #tpu.memory_space<vmem>>, vector<1x16xf32>,
      %get3A_346 = vector.shape_cast %get3A_345 : vector<1x16xf32> to vector<16xf32>
      %get3A_347 = arith.index_cast %rem3A_182 : i32 to index
      %get3A_348 = arith.constant 640 : index
      %get3A_349 = tpu.vector_load %arg7[%get3A_347, %get3A_348] {strides = array<i32>} : memref<3x768xf32, #tpu.memory_space<vmem>>, vector<1x16xf32>,
      %get3A_350 = vector.shape_cast %get3A_349 : vector<1x16xf32> to vector<16xf32>
      %get3A_351 = arith.index_cast %rem3A_182 : i32 to index
      %get3A_352 = arith.constant 656 : index
      %get3A_353 = tpu.vector_load %arg7[%get3A_351, %get3A_352] {strides = array<i32>} : memref<3x768xf32, #tpu.memory_space<vmem>>, vector<1x16xf32>,
      %get3A_354 = vector.shape_cast %get3A_353 : vector<1x16xf32> to vector<16xf32>
      %get3A_355 = arith.index_cast %rem3A_182 : i32 to index
      %get3A_356 = arith.constant 672 : index
      %get3A_357 = tpu.vector_load %arg7[%get3A_355, %get3A_356] {strides = array<i32>} : memref<3x768xf32, #tpu.memory_space<vmem>>, vector<1x16xf32>,
      %get3A_358 = vector.shape_cast %get3A_357 : vector<1x16xf32> to vector<16xf32>
      %get3A_359 = arith.index_cast %rem3A_182 : i32 to index
      %get3A_360 = arith.constant 688 : index
      %get3A_361 = tpu.vector_load %arg7[%get3A_359, %get3A_360] {strides = array<i32>} : memref<3x768xf32, #tpu.memory_space<vmem>>, vector<1x16xf32>,
      %get3A_362 = vector.shape_cast %get3A_361 : vector<1x16xf32> to vector<16xf32>
      %get3A_363 = arith.index_cast %rem3A_182 : i32 to index
      %get3A_364 = arith.constant 704 : index
      %get3A_365 = tpu.vector_load %arg7[%get3A_363, %get3A_364] {strides = array<i32>} : memref<3x768xf32, #tpu.memory_space<vmem>>, vector<1x16xf32>,
      %get3A_366 = vector.shape_cast %get3A_365 : vector<1x16xf32> to vector<16xf32>
      %get3A_367 = arith.index_cast %rem3A_182 : i32 to index
      %get3A_368 = arith.constant 720 : index
      %get3A_369 = tpu.vector_load %arg7[%get3A_367, %get3A_368] {strides = array<i32>} : memref<3x768xf32, #tpu.memory_space<vmem>>, vector<1x16xf32>,
      %get3A_370 = vector.shape_cast %get3A_369 : vector<1x16xf32> to vector<16xf32>
      %get3A_371 = arith.index_cast %rem3A_182 : i32 to index
      %get3A_372 = arith.constant 736 : index
      %get3A_373 = tpu.vector_load %arg7[%get3A_371, %get3A_372] {strides = array<i32>} : memref<3x768xf32, #tpu.memory_space<vmem>>, vector<1x16xf32>,
      %get3A_374 = vector.shape_cast %get3A_373 : vector<1x16xf32> to vector<16xf32>
      %get3A_375 = arith.index_cast %rem3A_182 : i32 to index
      %get3A_376 = arith.constant 752 : index
      %get3A_377 = tpu.vector_load %arg7[%get3A_375, %get3A_376] {strides = array<i32>} : memref<3x768xf32, #tpu.memory_space<vmem>>, vector<1x16xf32>,
      %get3A_378 = vector.shape_cast %get3A_377 : vector<1x16xf32> to vector<16xf32>
      %scan3A_379 = arith.constant 0 : i32
      %scan3A_380 = arith.constant 64 : i32
      %scan3A_381 = arith.addi %scan3A_379, %scan3A_380 : i32
      %scan3A_382 = arith.constant 1 : i32
      scf.for %scan3A_771 = %scan3A_379 to %scan3A_381 step %scan3A_382  : i32 {
        %swap3A = arith.constant 0 : i32
        %swap3A_772 = arith.index_cast %scan3A_771 : i32 to index
        %swap3A_773 = arith.index_cast %swap3A : i32 to index
        %swap3A_774 = arith.constant 384 : index
        %swap3A_775 = tpu.vector_load %arg8[%swap3A_772, %swap3A_773, %swap3A_774] {strides = array<i32>} : memref<64x1x768xf32, #tpu.memory_space<vmem>>, vector<1x1x16xf32>,
        %swap3A_776 = vector.shape_cast %swap3A_775 : vector<1x1x16xf32> to vector<16xf32>
        %swap3A_777 = vector.shape_cast %get3A_286 : vector<16xf32> to vector<1x1x16xf32>
        tpu.vector_store %arg8[%swap3A_772, %swap3A_773, %swap3A_774], %swap3A_777 {add = true, strides = array<i32>} : memref<64x1x768xf32, #tpu.memory_space<vmem>>, vector<1x1x16xf32>,
        %swap3A_778 = arith.constant 0 : i32
        %swap3A_779 = arith.index_cast %scan3A_771 : i32 to index
        %swap3A_780 = arith.index_cast %swap3A_778 : i32 to index
        %swap3A_781 = arith.constant 400 : index
        %swap3A_782 = tpu.vector_load %arg8[%swap3A_779, %swap3A_780, %swap3A_781] {strides = array<i32>} : memref<64x1x768xf32, #tpu.memory_space<vmem>>, vector<1x1x16xf32>,
        %swap3A_783 = vector.shape_cast %swap3A_782 : vector<1x1x16xf32> to vector<16xf32>
        %swap3A_784 = vector.shape_cast %get3A_290 : vector<16xf32> to vector<1x1x16xf32>
        tpu.vector_store %arg8[%swap3A_779, %swap3A_780, %swap3A_781], %swap3A_784 {add = true, strides = array<i32>} : memref<64x1x768xf32, #tpu.memory_space<vmem>>, vector<1x1x16xf32>,
        %swap3A_785 = arith.constant 0 : i32
        %swap3A_786 = arith.index_cast %scan3A_771 : i32 to index
        %swap3A_787 = arith.index_cast %swap3A_785 : i32 to index
        %swap3A_788 = arith.constant 416 : index
        %swap3A_789 = tpu.vector_load %arg8[%swap3A_786, %swap3A_787, %swap3A_788] {strides = array<i32>} : memref<64x1x768xf32, #tpu.memory_space<vmem>>, vector<1x1x16xf32>,
        %swap3A_790 = vector.shape_cast %swap3A_789 : vector<1x1x16xf32> to vector<16xf32>
        %swap3A_791 = vector.shape_cast %get3A_294 : vector<16xf32> to vector<1x1x16xf32>
        tpu.vector_store %arg8[%swap3A_786, %swap3A_787, %swap3A_788], %swap3A_791 {add = true, strides = array<i32>} : memref<64x1x768xf32, #tpu.memory_space<vmem>>, vector<1x1x16xf32>,
        %swap3A_792 = arith.constant 0 : i32
        %swap3A_793 = arith.index_cast %scan3A_771 : i32 to index
        %swap3A_794 = arith.index_cast %swap3A_792 : i32 to index
        %swap3A_795 = arith.constant 432 : index
        %swap3A_796 = tpu.vector_load %arg8[%swap3A_793, %swap3A_794, %swap3A_795] {strides = array<i32>} : memref<64x1x768xf32, #tpu.memory_space<vmem>>, vector<1x1x16xf32>,
        %swap3A_797 = vector.shape_cast %swap3A_796 : vector<1x1x16xf32> to vector<16xf32>
        %swap3A_798 = vector.shape_cast %get3A_298 : vector<16xf32> to vector<1x1x16xf32>
        tpu.vector_store %arg8[%swap3A_793, %swap3A_794, %swap3A_795], %swap3A_798 {add = true, strides = array<i32>} : memref<64x1x768xf32, #tpu.memory_space<vmem>>, vector<1x1x16xf32>,
        %swap3A_799 = arith.constant 0 : i32
        %swap3A_800 = arith.index_cast %scan3A_771 : i32 to index
        %swap3A_801 = arith.index_cast %swap3A_799 : i32 to index
        %swap3A_802 = arith.constant 448 : index
        %swap3A_803 = tpu.vector_load %arg8[%swap3A_800, %swap3A_801, %swap3A_802] {strides = array<i32>} : memref<64x1x768xf32, #tpu.memory_space<vmem>>, vector<1x1x16xf32>,
        %swap3A_804 = vector.shape_cast %swap3A_803 : vector<1x1x16xf32> to vector<16xf32>
        %swap3A_805 = vector.shape_cast %get3A_302 : vector<16xf32> to vector<1x1x16xf32>
        tpu.vector_store %arg8[%swap3A_800, %swap3A_801, %swap3A_802], %swap3A_805 {add = true, strides = array<i32>} : memref<64x1x768xf32, #tpu.memory_space<vmem>>, vector<1x1x16xf32>,
        %swap3A_806 = arith.constant 0 : i32
        %swap3A_807 = arith.index_cast %scan3A_771 : i32 to index
        %swap3A_808 = arith.index_cast %swap3A_806 : i32 to index
        %swap3A_809 = arith.constant 464 : index
        %swap3A_810 = tpu.vector_load %arg8[%swap3A_807, %swap3A_808, %swap3A_809] {strides = array<i32>} : memref<64x1x768xf32, #tpu.memory_space<vmem>>, vector<1x1x16xf32>,
        %swap3A_811 = vector.shape_cast %swap3A_810 : vector<1x1x16xf32> to vector<16xf32>
        %swap3A_812 = vector.shape_cast %get3A_306 : vector<16xf32> to vector<1x1x16xf32>
        tpu.vector_store %arg8[%swap3A_807, %swap3A_808, %swap3A_809], %swap3A_812 {add = true, strides = array<i32>} : memref<64x1x768xf32, #tpu.memory_space<vmem>>, vector<1x1x16xf32>,
        %swap3A_813 = arith.constant 0 : i32
        %swap3A_814 = arith.index_cast %scan3A_771 : i32 to index
        %swap3A_815 = arith.index_cast %swap3A_813 : i32 to index
        %swap3A_816 = arith.constant 480 : index
        %swap3A_817 = tpu.vector_load %arg8[%swap3A_814, %swap3A_815, %swap3A_816] {strides = array<i32>} : memref<64x1x768xf32, #tpu.memory_space<vmem>>, vector<1x1x16xf32>,
        %swap3A_818 = vector.shape_cast %swap3A_817 : vector<1x1x16xf32> to vector<16xf32>
        %swap3A_819 = vector.shape_cast %get3A_310 : vector<16xf32> to vector<1x1x16xf32>
        tpu.vector_store %arg8[%swap3A_814, %swap3A_815, %swap3A_816], %swap3A_819 {add = true, strides = array<i32>} : memref<64x1x768xf32, #tpu.memory_space<vmem>>, vector<1x1x16xf32>,
        %swap3A_820 = arith.constant 0 : i32
        %swap3A_821 = arith.index_cast %scan3A_771 : i32 to index
        %swap3A_822 = arith.index_cast %swap3A_820 : i32 to index
        %swap3A_823 = arith.constant 496 : index
        %swap3A_824 = tpu.vector_load %arg8[%swap3A_821, %swap3A_822, %swap3A_823] {strides = array<i32>} : memref<64x1x768xf32, #tpu.memory_space<vmem>>, vector<1x1x16xf32>,
        %swap3A_825 = vector.shape_cast %swap3A_824 : vector<1x1x16xf32> to vector<16xf32>
        %swap3A_826 = vector.shape_cast %get3A_314 : vector<16xf32> to vector<1x1x16xf32>
        tpu.vector_store %arg8[%swap3A_821, %swap3A_822, %swap3A_823], %swap3A_826 {add = true, strides = array<i32>} : memref<64x1x768xf32, #tpu.memory_space<vmem>>, vector<1x1x16xf32>,
        %swap3A_827 = arith.constant 0 : i32
        %swap3A_828 = arith.index_cast %scan3A_771 : i32 to index
        %swap3A_829 = arith.index_cast %swap3A_827 : i32 to index
        %swap3A_830 = arith.constant 512 : index
        %swap3A_831 = tpu.vector_load %arg8[%swap3A_828, %swap3A_829, %swap3A_830] {strides = array<i32>} : memref<64x1x768xf32, #tpu.memory_space<vmem>>, vector<1x1x16xf32>,
        %swap3A_832 = vector.shape_cast %swap3A_831 : vector<1x1x16xf32> to vector<16xf32>
        %swap3A_833 = vector.shape_cast %get3A_318 : vector<16xf32> to vector<1x1x16xf32>
        tpu.vector_store %arg8[%swap3A_828, %swap3A_829, %swap3A_830], %swap3A_833 {add = true, strides = array<i32>} : memref<64x1x768xf32, #tpu.memory_space<vmem>>, vector<1x1x16xf32>,
        %swap3A_834 = arith.constant 0 : i32
        %swap3A_835 = arith.index_cast %scan3A_771 : i32 to index
        %swap3A_836 = arith.index_cast %swap3A_834 : i32 to index
        %swap3A_837 = arith.constant 528 : index
        %swap3A_838 = tpu.vector_load %arg8[%swap3A_835, %swap3A_836, %swap3A_837] {strides = array<i32>} : memref<64x1x768xf32, #tpu.memory_space<vmem>>, vector<1x1x16xf32>,
        %swap3A_839 = vector.shape_cast %swap3A_838 : vector<1x1x16xf32> to vector<16xf32>
        %swap3A_840 = vector.shape_cast %get3A_322 : vector<16xf32> to vector<1x1x16xf32>
        tpu.vector_store %arg8[%swap3A_835, %swap3A_836, %swap3A_837], %swap3A_840 {add = true, strides = array<i32>} : memref<64x1x768xf32, #tpu.memory_space<vmem>>, vector<1x1x16xf32>,
        %swap3A_841 = arith.constant 0 : i32
        %swap3A_842 = arith.index_cast %scan3A_771 : i32 to index
        %swap3A_843 = arith.index_cast %swap3A_841 : i32 to index
        %swap3A_844 = arith.constant 544 : index
        %swap3A_845 = tpu.vector_load %arg8[%swap3A_842, %swap3A_843, %swap3A_844] {strides = array<i32>} : memref<64x1x768xf32, #tpu.memory_space<vmem>>, vector<1x1x16xf32>,
        %swap3A_846 = vector.shape_cast %swap3A_845 : vector<1x1x16xf32> to vector<16xf32>
        %swap3A_847 = vector.shape_cast %get3A_326 : vector<16xf32> to vector<1x1x16xf32>
        tpu.vector_store %arg8[%swap3A_842, %swap3A_843, %swap3A_844], %swap3A_847 {add = true, strides = array<i32>} : memref<64x1x768xf32, #tpu.memory_space<vmem>>, vector<1x1x16xf32>,
        %swap3A_848 = arith.constant 0 : i32
        %swap3A_849 = arith.index_cast %scan3A_771 : i32 to index
        %swap3A_850 = arith.index_cast %swap3A_848 : i32 to index
        %swap3A_851 = arith.constant 560 : index
        %swap3A_852 = tpu.vector_load %arg8[%swap3A_849, %swap3A_850, %swap3A_851] {strides = array<i32>} : memref<64x1x768xf32, #tpu.memory_space<vmem>>, vector<1x1x16xf32>,
        %swap3A_853 = vector.shape_cast %swap3A_852 : vector<1x1x16xf32> to vector<16xf32>
        %swap3A_854 = vector.shape_cast %get3A_330 : vector<16xf32> to vector<1x1x16xf32>
        tpu.vector_store %arg8[%swap3A_849, %swap3A_850, %swap3A_851], %swap3A_854 {add = true, strides = array<i32>} : memref<64x1x768xf32, #tpu.memory_space<vmem>>, vector<1x1x16xf32>,
        %swap3A_855 = arith.constant 0 : i32
        %swap3A_856 = arith.index_cast %scan3A_771 : i32 to index
        %swap3A_857 = arith.index_cast %swap3A_855 : i32 to index
        %swap3A_858 = arith.constant 576 : index
        %swap3A_859 = tpu.vector_load %arg8[%swap3A_856, %swap3A_857, %swap3A_858] {strides = array<i32>} : memref<64x1x768xf32, #tpu.memory_space<vmem>>, vector<1x1x16xf32>,
        %swap3A_860 = vector.shape_cast %swap3A_859 : vector<1x1x16xf32> to vector<16xf32>
        %swap3A_861 = vector.shape_cast %get3A_334 : vector<16xf32> to vector<1x1x16xf32>
        tpu.vector_store %arg8[%swap3A_856, %swap3A_857, %swap3A_858], %swap3A_861 {add = true, strides = array<i32>} : memref<64x1x768xf32, #tpu.memory_space<vmem>>, vector<1x1x16xf32>,
        %swap3A_862 = arith.constant 0 : i32
        %swap3A_863 = arith.index_cast %scan3A_771 : i32 to index
        %swap3A_864 = arith.index_cast %swap3A_862 : i32 to index
        %swap3A_865 = arith.constant 592 : index
        %swap3A_866 = tpu.vector_load %arg8[%swap3A_863, %swap3A_864, %swap3A_865] {strides = array<i32>} : memref<64x1x768xf32, #tpu.memory_space<vmem>>, vector<1x1x16xf32>,
        %swap3A_867 = vector.shape_cast %swap3A_866 : vector<1x1x16xf32> to vector<16xf32>
        %swap3A_868 = vector.shape_cast %get3A_338 : vector<16xf32> to vector<1x1x16xf32>
        tpu.vector_store %arg8[%swap3A_863, %swap3A_864, %swap3A_865], %swap3A_868 {add = true, strides = array<i32>} : memref<64x1x768xf32, #tpu.memory_space<vmem>>, vector<1x1x16xf32>,
        %swap3A_869 = arith.constant 0 : i32
        %swap3A_870 = arith.index_cast %scan3A_771 : i32 to index
        %swap3A_871 = arith.index_cast %swap3A_869 : i32 to index
        %swap3A_872 = arith.constant 608 : index
        %swap3A_873 = tpu.vector_load %arg8[%swap3A_870, %swap3A_871, %swap3A_872] {strides = array<i32>} : memref<64x1x768xf32, #tpu.memory_space<vmem>>, vector<1x1x16xf32>,
        %swap3A_874 = vector.shape_cast %swap3A_873 : vector<1x1x16xf32> to vector<16xf32>
        %swap3A_875 = vector.shape_cast %get3A_342 : vector<16xf32> to vector<1x1x16xf32>
        tpu.vector_store %arg8[%swap3A_870, %swap3A_871, %swap3A_872], %swap3A_875 {add = true, strides = array<i32>} : memref<64x1x768xf32, #tpu.memory_space<vmem>>, vector<1x1x16xf32>,
        %swap3A_876 = arith.constant 0 : i32
        %swap3A_877 = arith.index_cast %scan3A_771 : i32 to index
        %swap3A_878 = arith.index_cast %swap3A_876 : i32 to index
        %swap3A_879 = arith.constant 624 : index
        %swap3A_880 = tpu.vector_load %arg8[%swap3A_877, %swap3A_878, %swap3A_879] {strides = array<i32>} : memref<64x1x768xf32, #tpu.memory_space<vmem>>, vector<1x1x16xf32>,
        %swap3A_881 = vector.shape_cast %swap3A_880 : vector<1x1x16xf32> to vector<16xf32>
        %swap3A_882 = vector.shape_cast %get3A_346 : vector<16xf32> to vector<1x1x16xf32>
        tpu.vector_store %arg8[%swap3A_877, %swap3A_878, %swap3A_879], %swap3A_882 {add = true, strides = array<i32>} : memref<64x1x768xf32, #tpu.memory_space<vmem>>, vector<1x1x16xf32>,
        %swap3A_883 = arith.constant 0 : i32
        %swap3A_884 = arith.index_cast %scan3A_771 : i32 to index
        %swap3A_885 = arith.index_cast %swap3A_883 : i32 to index
        %swap3A_886 = arith.constant 640 : index
        %swap3A_887 = tpu.vector_load %arg8[%swap3A_884, %swap3A_885, %swap3A_886] {strides = array<i32>} : memref<64x1x768xf32, #tpu.memory_space<vmem>>, vector<1x1x16xf32>,
        %swap3A_888 = vector.shape_cast %swap3A_887 : vector<1x1x16xf32> to vector<16xf32>
        %swap3A_889 = vector.shape_cast %get3A_350 : vector<16xf32> to vector<1x1x16xf32>
        tpu.vector_store %arg8[%swap3A_884, %swap3A_885, %swap3A_886], %swap3A_889 {add = true, strides = array<i32>} : memref<64x1x768xf32, #tpu.memory_space<vmem>>, vector<1x1x16xf32>,
        %swap3A_890 = arith.constant 0 : i32
        %swap3A_891 = arith.index_cast %scan3A_771 : i32 to index
        %swap3A_892 = arith.index_cast %swap3A_890 : i32 to index
        %swap3A_893 = arith.constant 656 : index
        %swap3A_894 = tpu.vector_load %arg8[%swap3A_891, %swap3A_892, %swap3A_893] {strides = array<i32>} : memref<64x1x768xf32, #tpu.memory_space<vmem>>, vector<1x1x16xf32>,
        %swap3A_895 = vector.shape_cast %swap3A_894 : vector<1x1x16xf32> to vector<16xf32>
        %swap3A_896 = vector.shape_cast %get3A_354 : vector<16xf32> to vector<1x1x16xf32>
        tpu.vector_store %arg8[%swap3A_891, %swap3A_892, %swap3A_893], %swap3A_896 {add = true, strides = array<i32>} : memref<64x1x768xf32, #tpu.memory_space<vmem>>, vector<1x1x16xf32>,
        %swap3A_897 = arith.constant 0 : i32
        %swap3A_898 = arith.index_cast %scan3A_771 : i32 to index
        %swap3A_899 = arith.index_cast %swap3A_897 : i32 to index
        %swap3A_900 = arith.constant 672 : index
        %swap3A_901 = tpu.vector_load %arg8[%swap3A_898, %swap3A_899, %swap3A_900] {strides = array<i32>} : memref<64x1x768xf32, #tpu.memory_space<vmem>>, vector<1x1x16xf32>,
        %swap3A_902 = vector.shape_cast %swap3A_901 : vector<1x1x16xf32> to vector<16xf32>
        %swap3A_903 = vector.shape_cast %get3A_358 : vector<16xf32> to vector<1x1x16xf32>
        tpu.vector_store %arg8[%swap3A_898, %swap3A_899, %swap3A_900], %swap3A_903 {add = true, strides = array<i32>} : memref<64x1x768xf32, #tpu.memory_space<vmem>>, vector<1x1x16xf32>,
        %swap3A_904 = arith.constant 0 : i32
        %swap3A_905 = arith.index_cast %scan3A_771 : i32 to index
        %swap3A_906 = arith.index_cast %swap3A_904 : i32 to index
        %swap3A_907 = arith.constant 688 : index
        %swap3A_908 = tpu.vector_load %arg8[%swap3A_905, %swap3A_906, %swap3A_907] {strides = array<i32>} : memref<64x1x768xf32, #tpu.memory_space<vmem>>, vector<1x1x16xf32>,
        %swap3A_909 = vector.shape_cast %swap3A_908 : vector<1x1x16xf32> to vector<16xf32>
        %swap3A_910 = vector.shape_cast %get3A_362 : vector<16xf32> to vector<1x1x16xf32>
        tpu.vector_store %arg8[%swap3A_905, %swap3A_906, %swap3A_907], %swap3A_910 {add = true, strides = array<i32>} : memref<64x1x768xf32, #tpu.memory_space<vmem>>, vector<1x1x16xf32>,
        %swap3A_911 = arith.constant 0 : i32
        %swap3A_912 = arith.index_cast %scan3A_771 : i32 to index
        %swap3A_913 = arith.index_cast %swap3A_911 : i32 to index
        %swap3A_914 = arith.constant 704 : index
        %swap3A_915 = tpu.vector_load %arg8[%swap3A_912, %swap3A_913, %swap3A_914] {strides = array<i32>} : memref<64x1x768xf32, #tpu.memory_space<vmem>>, vector<1x1x16xf32>,
        %swap3A_916 = vector.shape_cast %swap3A_915 : vector<1x1x16xf32> to vector<16xf32>
        %swap3A_917 = vector.shape_cast %get3A_366 : vector<16xf32> to vector<1x1x16xf32>
        tpu.vector_store %arg8[%swap3A_912, %swap3A_913, %swap3A_914], %swap3A_917 {add = true, strides = array<i32>} : memref<64x1x768xf32, #tpu.memory_space<vmem>>, vector<1x1x16xf32>,
        %swap3A_918 = arith.constant 0 : i32
        %swap3A_919 = arith.index_cast %scan3A_771 : i32 to index
        %swap3A_920 = arith.index_cast %swap3A_918 : i32 to index
        %swap3A_921 = arith.constant 720 : index
        %swap3A_922 = tpu.vector_load %arg8[%swap3A_919, %swap3A_920, %swap3A_921] {strides = array<i32>} : memref<64x1x768xf32, #tpu.memory_space<vmem>>, vector<1x1x16xf32>,
        %swap3A_923 = vector.shape_cast %swap3A_922 : vector<1x1x16xf32> to vector<16xf32>
        %swap3A_924 = vector.shape_cast %get3A_370 : vector<16xf32> to vector<1x1x16xf32>
        tpu.vector_store %arg8[%swap3A_919, %swap3A_920, %swap3A_921], %swap3A_924 {add = true, strides = array<i32>} : memref<64x1x768xf32, #tpu.memory_space<vmem>>, vector<1x1x16xf32>,
        %swap3A_925 = arith.constant 0 : i32
        %swap3A_926 = arith.index_cast %scan3A_771 : i32 to index
        %swap3A_927 = arith.index_cast %swap3A_925 : i32 to index
        %swap3A_928 = arith.constant 736 : index
        %swap3A_929 = tpu.vector_load %arg8[%swap3A_926, %swap3A_927, %swap3A_928] {strides = array<i32>} : memref<64x1x768xf32, #tpu.memory_space<vmem>>, vector<1x1x16xf32>,
        %swap3A_930 = vector.shape_cast %swap3A_929 : vector<1x1x16xf32> to vector<16xf32>
        %swap3A_931 = vector.shape_cast %get3A_374 : vector<16xf32> to vector<1x1x16xf32>
        tpu.vector_store %arg8[%swap3A_926, %swap3A_927, %swap3A_928], %swap3A_931 {add = true, strides = array<i32>} : memref<64x1x768xf32, #tpu.memory_space<vmem>>, vector<1x1x16xf32>,
        %swap3A_932 = arith.constant 0 : i32
        %swap3A_933 = arith.index_cast %scan3A_771 : i32 to index
        %swap3A_934 = arith.index_cast %swap3A_932 : i32 to index
        %swap3A_935 = arith.constant 752 : index
        %swap3A_936 = tpu.vector_load %arg8[%swap3A_933, %swap3A_934, %swap3A_935] {strides = array<i32>} : memref<64x1x768xf32, #tpu.memory_space<vmem>>, vector<1x1x16xf32>,
        %swap3A_937 = vector.shape_cast %swap3A_936 : vector<1x1x16xf32> to vector<16xf32>
        %swap3A_938 = vector.shape_cast %get3A_378 : vector<16xf32> to vector<1x1x16xf32>
        tpu.vector_store %arg8[%swap3A_933, %swap3A_934, %swap3A_935], %swap3A_938 {add = true, strides = array<i32>} : memref<64x1x768xf32, #tpu.memory_space<vmem>>, vector<1x1x16xf32>,
      }
      %scan3A_383 = arith.constant 64 : i32
      %jit3A_384 = arith.constant 2 : i32
      %eq3A_385 = arith.constant 0 : i32
      %eq3A_386 = arith.cmpi eq, %jit3A_384, %eq3A_385 : i32
      %jit3A_387 = arith.constant 1 : i32
      %select_n3A_388 = arith.select %eq3A_386, %jit3A_387, %jit3A_384 : i32
      %rem3A_389 = arith.remsi %add3A_72, %select_n3A_388 : i32
      %ne3A_390 = arith.constant 0 : i32
      %ne3A_391 = arith.cmpi ne, %rem3A_389, %ne3A_390 : i32
      %lt3A_392 = arith.constant 0 : i32
      %lt3A_393 = arith.cmpi slt, %rem3A_389, %lt3A_392 : i32
      %lt3A_394 = arith.constant 0 : i32
      %lt3A_395 = arith.cmpi slt, %select_n3A_388, %lt3A_394 : i32
      %ne3A_396 = arith.xori %lt3A_393, %lt3A_395 : i1
      %and3A_397 = arith.andi %ne3A_396, %ne3A_391 : i1
      %add3A_398 = arith.addi %rem3A_389, %select_n3A_388 : i32
      %select_n3A_399 = arith.select %and3A_397, %add3A_398, %rem3A_389 : i32
      %mul3A_400 = arith.constant 64 : i32
      %mul3A_401 = arith.muli %select_n3A_399, %mul3A_400 : i32
      %add3A_402 = arith.addi %mul3A_2, %mul3A_401 : i32
      %jit3A_403 = arith.constant 2 : i32
      %div3A_404 = arith.divsi %add3A_72, %jit3A_403 : i32
      %sign3A_405 = arith.constant 0 : i32
      %sign3A_406 = arith.cmpi sgt, %add3A_72, %sign3A_405 : i32
      %sign3A_407 = arith.extui %sign3A_406 : i1 to i32
      %sign3A_408 = arith.constant 0 : i32
      %sign3A_409 = arith.cmpi slt, %add3A_72, %sign3A_408 : i32
      %sign3A_410 = arith.extui %sign3A_409 : i1 to i32
      %sign3A_411 = arith.subi %sign3A_407, %sign3A_410 : i32
      %sign3A_412 = arith.constant 0 : i32
      %sign3A_413 = arith.cmpi sgt, %jit3A_403, %sign3A_412 : i32
      %sign3A_414 = arith.extui %sign3A_413 : i1 to i32
      %sign3A_415 = arith.constant 0 : i32
      %sign3A_416 = arith.cmpi slt, %jit3A_403, %sign3A_415 : i32
      %sign3A_417 = arith.extui %sign3A_416 : i1 to i32
      %sign3A_418 = arith.subi %sign3A_414, %sign3A_417 : i32
      %ne3A_419 = arith.cmpi ne, %sign3A_411, %sign3A_418 : i32
      %rem3A_420 = arith.remsi %add3A_72, %jit3A_403 : i32
      %ne3A_421 = arith.constant 0 : i32
      %ne3A_422 = arith.cmpi ne, %rem3A_420, %ne3A_421 : i32
      %and3A_423 = arith.andi %ne3A_419, %ne3A_422 : i1
      %sub3A_424 = arith.constant 1 : i32
      %sub3A_425 = arith.subi %div3A_404, %sub3A_424 : i32
      %select_n3A_426 = arith.select %and3A_423, %sub3A_425, %div3A_404 : i32
      %dma_start3A_427 = arith.constant 0 : i32
      %dma_start3A_428 = tpu.memref_slice %arg5[%add3A_402, %select_n3A_426, %dma_start3A_427] : memref<4096x77x768xf32, #tpu.memory_space<hbm>> -> memref<64x1x768xf32, #tpu.memory_space<hbm>>
      %dma_start3A_429 = arith.constant 0 : i32
      %dma_start3A_430 = tpu.memref_slice %arg5[%add3A_402, %select_n3A_426, %dma_start3A_429] : memref<4096x77x768xf32, #tpu.memory_space<hbm>> -> memref<64x1x768xf32, #tpu.memory_space<hbm>>
      tpu.enqueue_dma source(%arg8 : memref<64x1x768xf32, #tpu.memory_space<vmem>>) target(%dma_start3A_430 : memref<64x1x768xf32, #tpu.memory_space<hbm>>) target_semaphore(%arg13 : memref<!tpu.dma_semaphore, #tpu.memory_space<semaphore_mem>>)
      %mul3A_431 = arith.constant 2 : i32
      %mul3A_432 = arith.muli %scan3A_67, %mul3A_431 : i32
      %add3A_433 = arith.constant 1 : i32
      %add3A_434 = arith.addi %mul3A_432, %add3A_433 : i32
      %ge3A_435 = arith.constant 1 : i32
      %ge3A_436 = arith.cmpi sge, %add3A_434, %ge3A_435 : i32
      %convert_element_type3A_437 = arith.extui %ge3A_436 : i1 to i32
      %cond3A_438 = arith.constant 0 : i32
      %cond3A_439 = arith.cmpi ne, %convert_element_type3A_437, %cond3A_438 : i32
      scf.if %cond3A_439 {
        %sub3A_771 = arith.constant 1 : i32
        %sub3A_772 = arith.subi %add3A_434, %sub3A_771 : i32
        %jit3A_773 = arith.constant 2 : i32
        %eq3A_774 = arith.constant 0 : i32
        %eq3A_775 = arith.cmpi eq, %jit3A_773, %eq3A_774 : i32
        %jit3A_776 = arith.constant 1 : i32
        %select_n3A_777 = arith.select %eq3A_775, %jit3A_776, %jit3A_773 : i32
        %rem3A_778 = arith.remsi %sub3A_772, %select_n3A_777 : i32
        %ne3A_779 = arith.constant 0 : i32
        %ne3A_780 = arith.cmpi ne, %rem3A_778, %ne3A_779 : i32
        %lt3A_781 = arith.constant 0 : i32
        %lt3A_782 = arith.cmpi slt, %rem3A_778, %lt3A_781 : i32
        %lt3A_783 = arith.constant 0 : i32
        %lt3A_784 = arith.cmpi slt, %select_n3A_777, %lt3A_783 : i32
        %ne3A_785 = arith.xori %lt3A_782, %lt3A_784 : i1
        %and3A_786 = arith.andi %ne3A_785, %ne3A_780 : i1
        %add3A_787 = arith.addi %rem3A_778, %select_n3A_777 : i32
        %select_n3A_788 = arith.select %and3A_786, %add3A_787, %rem3A_778 : i32
        %mul3A_789 = arith.constant 64 : i32
        %mul3A_790 = arith.muli %select_n3A_788, %mul3A_789 : i32
        %add3A_791 = arith.addi %mul3A_2, %mul3A_790 : i32
        %jit3A_792 = arith.constant 2 : i32
        %div3A_793 = arith.divsi %sub3A_772, %jit3A_792 : i32
        %sign3A_794 = arith.constant 0 : i32
        %sign3A_795 = arith.cmpi sgt, %sub3A_772, %sign3A_794 : i32
        %sign3A_796 = arith.extui %sign3A_795 : i1 to i32
        %sign3A_797 = arith.constant 0 : i32
        %sign3A_798 = arith.cmpi slt, %sub3A_772, %sign3A_797 : i32
        %sign3A_799 = arith.extui %sign3A_798 : i1 to i32
        %sign3A_800 = arith.subi %sign3A_796, %sign3A_799 : i32
        %sign3A_801 = arith.constant 0 : i32
        %sign3A_802 = arith.cmpi sgt, %jit3A_792, %sign3A_801 : i32
        %sign3A_803 = arith.extui %sign3A_802 : i1 to i32
        %sign3A_804 = arith.constant 0 : i32
        %sign3A_805 = arith.cmpi slt, %jit3A_792, %sign3A_804 : i32
        %sign3A_806 = arith.extui %sign3A_805 : i1 to i32
        %sign3A_807 = arith.subi %sign3A_803, %sign3A_806 : i32
        %ne3A_808 = arith.cmpi ne, %sign3A_800, %sign3A_807 : i32
        %rem3A_809 = arith.remsi %sub3A_772, %jit3A_792 : i32
        %ne3A_810 = arith.constant 0 : i32
        %ne3A_811 = arith.cmpi ne, %rem3A_809, %ne3A_810 : i32
        %and3A_812 = arith.andi %ne3A_808, %ne3A_811 : i1
        %sub3A_813 = arith.constant 1 : i32
        %sub3A_814 = arith.subi %div3A_793, %sub3A_813 : i32
        %select_n3A_815 = arith.select %and3A_812, %sub3A_814, %div3A_793 : i32
        %dma_wait3A_816 = arith.constant 0 : i32
        %dma_wait3A_817 = tpu.memref_slice %arg5[%add3A_791, %select_n3A_815, %dma_wait3A_816] : memref<4096x77x768xf32, #tpu.memory_space<hbm>> -> memref<64x1x768xf32, #tpu.memory_space<hbm>>
        %dma_wait3A_818 = arith.constant 0 : i32
        %dma_wait3A_819 = tpu.memref_slice %arg5[%add3A_791, %select_n3A_815, %dma_wait3A_818] : memref<4096x77x768xf32, #tpu.memory_space<hbm>> -> memref<64x1x768xf32, #tpu.memory_space<hbm>>
        tpu.wait_dma2 semaphore(%arg13 : memref<!tpu.dma_semaphore, #tpu.memory_space<semaphore_mem>>) src(%arg8 : memref<64x1x768xf32, #tpu.memory_space<vmem>>) dst(%dma_wait3A_819 : memref<64x1x768xf32, #tpu.memory_space<hbm>>)
      } else {
      }
      %add3A_440 = arith.constant 1 : i32
      %add3A_441 = arith.addi %add3A_434, %add3A_440 : i32
      %lt3A_442 = arith.constant 154 : i32
      %lt3A_443 = arith.cmpi slt, %add3A_441, %lt3A_442 : i32
      %convert_element_type3A_444 = arith.extui %lt3A_443 : i1 to i32
      %cond3A_445 = arith.constant 0 : i32
      %cond3A_446 = arith.cmpi ne, %convert_element_type3A_444, %cond3A_445 : i32
      scf.if %cond3A_446 {
        %add3A_771 = arith.constant 1 : i32
        %add3A_772 = arith.addi %add3A_434, %add3A_771 : i32
        %jit3A_773 = arith.constant 2 : i32
        %div3A_774 = arith.divsi %add3A_772, %jit3A_773 : i32
        %sign3A_775 = arith.constant 0 : i32
        %sign3A_776 = arith.cmpi sgt, %add3A_772, %sign3A_775 : i32
        %sign3A_777 = arith.extui %sign3A_776 : i1 to i32
        %sign3A_778 = arith.constant 0 : i32
        %sign3A_779 = arith.cmpi slt, %add3A_772, %sign3A_778 : i32
        %sign3A_780 = arith.extui %sign3A_779 : i1 to i32
        %sign3A_781 = arith.subi %sign3A_777, %sign3A_780 : i32
        %sign3A_782 = arith.constant 0 : i32
        %sign3A_783 = arith.cmpi sgt, %jit3A_773, %sign3A_782 : i32
        %sign3A_784 = arith.extui %sign3A_783 : i1 to i32
        %sign3A_785 = arith.constant 0 : i32
        %sign3A_786 = arith.cmpi slt, %jit3A_773, %sign3A_785 : i32
        %sign3A_787 = arith.extui %sign3A_786 : i1 to i32
        %sign3A_788 = arith.subi %sign3A_784, %sign3A_787 : i32
        %ne3A_789 = arith.cmpi ne, %sign3A_781, %sign3A_788 : i32
        %rem3A_790 = arith.remsi %add3A_772, %jit3A_773 : i32
        %ne3A_791 = arith.constant 0 : i32
        %ne3A_792 = arith.cmpi ne, %rem3A_790, %ne3A_791 : i32
        %and3A_793 = arith.andi %ne3A_789, %ne3A_792 : i1
        %sub3A_794 = arith.constant 1 : i32
        %sub3A_795 = arith.subi %div3A_774, %sub3A_794 : i32
        %select_n3A_796 = arith.select %and3A_793, %sub3A_795, %div3A_774 : i32
        %jit3A_797 = arith.constant 2 : i32
        %eq3A_798 = arith.constant 0 : i32
        %eq3A_799 = arith.cmpi eq, %jit3A_797, %eq3A_798 : i32
        %jit3A_800 = arith.constant 1 : i32
        %select_n3A_801 = arith.select %eq3A_799, %jit3A_800, %jit3A_797 : i32
        %rem3A_802 = arith.remsi %add3A_772, %select_n3A_801 : i32
        %ne3A_803 = arith.constant 0 : i32
        %ne3A_804 = arith.cmpi ne, %rem3A_802, %ne3A_803 : i32
        %lt3A_805 = arith.constant 0 : i32
        %lt3A_806 = arith.cmpi slt, %rem3A_802, %lt3A_805 : i32
        %lt3A_807 = arith.constant 0 : i32
        %lt3A_808 = arith.cmpi slt, %select_n3A_801, %lt3A_807 : i32
        %ne3A_809 = arith.xori %lt3A_806, %lt3A_808 : i1
        %and3A_810 = arith.andi %ne3A_809, %ne3A_804 : i1
        %add3A_811 = arith.addi %rem3A_802, %select_n3A_801 : i32
        %select_n3A_812 = arith.select %and3A_810, %add3A_811, %rem3A_802 : i32
        %mul3A_813 = arith.constant 64 : i32
        %mul3A_814 = arith.muli %select_n3A_812, %mul3A_813 : i32
        %dma_start3A_815 = tpu.memref_slice %arg6[%select_n3A_796, %mul3A_814] : memref<77x128xi32, #tpu.memory_space<vmem>> -> memref<1x64xi32, #tpu.memory_space<vmem>>
        %dma_start3A_816 = tpu.memref_squeeze %dma_start3A_815 : memref<1x64xi32, #tpu.memory_space<vmem>> -> memref<64xi32, #tpu.memory_space<vmem>>
        %dma_start3A_817 = arith.constant 0 : i32
        %dma_start3A_818 = arith.constant 0 : i32
        %dma_start3A_819 = arith.constant 0 : i32
        %dma_start3A_820 = tpu.memref_slice %arg3[%dma_start3A_817, %dma_start3A_818, %dma_start3A_819] : memref<49408x1x768xf32, #tpu.memory_space<hbm>> -> memref<49408x1x768xf32, #tpu.memory_space<hbm>>
        tpu.enqueue_indirect_dma source(%dma_start3A_820 : memref<49408x1x768xf32, #tpu.memory_space<hbm>>) target(%arg8 : memref<64x1x768xf32, #tpu.memory_space<vmem>>) offsets(%dma_start3A_816 : memref<64xi32, #tpu.memory_space<vmem>>) semaphore(%arg11 : memref<!tpu.dma_semaphore, #tpu.memory_space<semaphore_mem>>)
      } else {
      }
      %jit3A_447 = arith.constant 2 : i32
      %div3A_448 = arith.divsi %add3A_434, %jit3A_447 : i32
      %sign3A_449 = arith.constant 0 : i32
      %sign3A_450 = arith.cmpi sgt, %add3A_434, %sign3A_449 : i32
      %sign3A_451 = arith.extui %sign3A_450 : i1 to i32
      %sign3A_452 = arith.constant 0 : i32
      %sign3A_453 = arith.cmpi slt, %add3A_434, %sign3A_452 : i32
      %sign3A_454 = arith.extui %sign3A_453 : i1 to i32
      %sign3A_455 = arith.subi %sign3A_451, %sign3A_454 : i32
      %sign3A_456 = arith.constant 0 : i32
      %sign3A_457 = arith.cmpi sgt, %jit3A_447, %sign3A_456 : i32
      %sign3A_458 = arith.extui %sign3A_457 : i1 to i32
      %sign3A_459 = arith.constant 0 : i32
      %sign3A_460 = arith.cmpi slt, %jit3A_447, %sign3A_459 : i32
      %sign3A_461 = arith.extui %sign3A_460 : i1 to i32
      %sign3A_462 = arith.subi %sign3A_458, %sign3A_461 : i32
      %ne3A_463 = arith.cmpi ne, %sign3A_455, %sign3A_462 : i32
      %rem3A_464 = arith.remsi %add3A_434, %jit3A_447 : i32
      %ne3A_465 = arith.constant 0 : i32
      %ne3A_466 = arith.cmpi ne, %rem3A_464, %ne3A_465 : i32
      %and3A_467 = arith.andi %ne3A_463, %ne3A_466 : i1
      %sub3A_468 = arith.constant 1 : i32
      %sub3A_469 = arith.subi %div3A_448, %sub3A_468 : i32
      %select_n3A_470 = arith.select %and3A_467, %sub3A_469, %div3A_448 : i32
      %jit3A_471 = arith.constant 2 : i32
      %eq3A_472 = arith.constant 0 : i32
      %eq3A_473 = arith.cmpi eq, %jit3A_471, %eq3A_472 : i32
      %jit3A_474 = arith.constant 1 : i32
      %select_n3A_475 = arith.select %eq3A_473, %jit3A_474, %jit3A_471 : i32
      %rem3A_476 = arith.remsi %add3A_434, %select_n3A_475 : i32
      %ne3A_477 = arith.constant 0 : i32
      %ne3A_478 = arith.cmpi ne, %rem3A_476, %ne3A_477 : i32
      %lt3A_479 = arith.constant 0 : i32
      %lt3A_480 = arith.cmpi slt, %rem3A_476, %lt3A_479 : i32
      %lt3A_481 = arith.constant 0 : i32
      %lt3A_482 = arith.cmpi slt, %select_n3A_475, %lt3A_481 : i32
      %ne3A_483 = arith.xori %lt3A_480, %lt3A_482 : i1
      %and3A_484 = arith.andi %ne3A_483, %ne3A_478 : i1
      %add3A_485 = arith.addi %rem3A_476, %select_n3A_475 : i32
      %select_n3A_486 = arith.select %and3A_484, %add3A_485, %rem3A_476 : i32
      %mul3A_487 = arith.constant 64 : i32
      %mul3A_488 = arith.muli %select_n3A_486, %mul3A_487 : i32
      %dma_wait3A_489 = tpu.memref_slice %arg6[%select_n3A_470, %mul3A_488] : memref<77x128xi32, #tpu.memory_space<vmem>> -> memref<1x64xi32, #tpu.memory_space<vmem>>
      %dma_wait3A_490 = tpu.memref_squeeze %dma_wait3A_489 : memref<1x64xi32, #tpu.memory_space<vmem>> -> memref<64xi32, #tpu.memory_space<vmem>>
      %dma_wait3A_491 = arith.constant 0 : i32
      %dma_wait3A_492 = arith.constant 0 : i32
      %dma_wait3A_493 = arith.constant 0 : i32
      %dma_wait3A_494 = tpu.memref_slice %arg3[%dma_wait3A_491, %dma_wait3A_492, %dma_wait3A_493] : memref<49408x1x768xf32, #tpu.memory_space<hbm>> -> memref<49408x1x768xf32, #tpu.memory_space<hbm>>
      tpu.wait_indirect_dma semaphore(%arg12 : memref<!tpu.dma_semaphore, #tpu.memory_space<semaphore_mem>>) src(%dma_wait3A_494 : memref<49408x1x768xf32, #tpu.memory_space<hbm>>) dst(%arg9 : memref<64x1x768xf32, #tpu.memory_space<vmem>>)
      %jit3A_495 = arith.constant 2 : i32
      %div3A_496 = arith.divsi %add3A_434, %jit3A_495 : i32
      %sign3A_497 = arith.constant 0 : i32
      %sign3A_498 = arith.cmpi sgt, %add3A_434, %sign3A_497 : i32
      %sign3A_499 = arith.extui %sign3A_498 : i1 to i32
      %sign3A_500 = arith.constant 0 : i32
      %sign3A_501 = arith.cmpi slt, %add3A_434, %sign3A_500 : i32
      %sign3A_502 = arith.extui %sign3A_501 : i1 to i32
      %sign3A_503 = arith.subi %sign3A_499, %sign3A_502 : i32
      %sign3A_504 = arith.constant 0 : i32
      %sign3A_505 = arith.cmpi sgt, %jit3A_495, %sign3A_504 : i32
      %sign3A_506 = arith.extui %sign3A_505 : i1 to i32
      %sign3A_507 = arith.constant 0 : i32
      %sign3A_508 = arith.cmpi slt, %jit3A_495, %sign3A_507 : i32
      %sign3A_509 = arith.extui %sign3A_508 : i1 to i32
      %sign3A_510 = arith.subi %sign3A_506, %sign3A_509 : i32
      %ne3A_511 = arith.cmpi ne, %sign3A_503, %sign3A_510 : i32
      %rem3A_512 = arith.remsi %add3A_434, %jit3A_495 : i32
      %ne3A_513 = arith.constant 0 : i32
      %ne3A_514 = arith.cmpi ne, %rem3A_512, %ne3A_513 : i32
      %and3A_515 = arith.andi %ne3A_511, %ne3A_514 : i1
      %sub3A_516 = arith.constant 1 : i32
      %sub3A_517 = arith.subi %div3A_496, %sub3A_516 : i32
      %select_n3A_518 = arith.select %and3A_515, %sub3A_517, %div3A_496 : i32
      %rem3A_519 = arith.constant 3 : i32
      %rem3A_520 = arith.remsi %select_n3A_518, %rem3A_519 : i32
      %get3A_521 = arith.index_cast %rem3A_520 : i32 to index
      %get3A_522 = arith.constant 0 : index
      %get3A_523 = tpu.vector_load %arg7[%get3A_521, %get3A_522] {strides = array<i32>} : memref<3x768xf32, #tpu.memory_space<vmem>>, vector<1x16xf32>,
      %get3A_524 = vector.shape_cast %get3A_523 : vector<1x16xf32> to vector<16xf32>
      %get3A_525 = arith.index_cast %rem3A_520 : i32 to index
      %get3A_526 = arith.constant 16 : index
      %get3A_527 = tpu.vector_load %arg7[%get3A_525, %get3A_526] {strides = array<i32>} : memref<3x768xf32, #tpu.memory_space<vmem>>, vector<1x16xf32>,
      %get3A_528 = vector.shape_cast %get3A_527 : vector<1x16xf32> to vector<16xf32>
      %get3A_529 = arith.index_cast %rem3A_520 : i32 to index
      %get3A_530 = arith.constant 32 : index
      %get3A_531 = tpu.vector_load %arg7[%get3A_529, %get3A_530] {strides = array<i32>} : memref<3x768xf32, #tpu.memory_space<vmem>>, vector<1x16xf32>,
      %get3A_532 = vector.shape_cast %get3A_531 : vector<1x16xf32> to vector<16xf32>
      %get3A_533 = arith.index_cast %rem3A_520 : i32 to index
      %get3A_534 = arith.constant 48 : index
      %get3A_535 = tpu.vector_load %arg7[%get3A_533, %get3A_534] {strides = array<i32>} : memref<3x768xf32, #tpu.memory_space<vmem>>, vector<1x16xf32>,
      %get3A_536 = vector.shape_cast %get3A_535 : vector<1x16xf32> to vector<16xf32>
      %get3A_537 = arith.index_cast %rem3A_520 : i32 to index
      %get3A_538 = arith.constant 64 : index
      %get3A_539 = tpu.vector_load %arg7[%get3A_537, %get3A_538] {strides = array<i32>} : memref<3x768xf32, #tpu.memory_space<vmem>>, vector<1x16xf32>,
      %get3A_540 = vector.shape_cast %get3A_539 : vector<1x16xf32> to vector<16xf32>
      %get3A_541 = arith.index_cast %rem3A_520 : i32 to index
      %get3A_542 = arith.constant 80 : index
      %get3A_543 = tpu.vector_load %arg7[%get3A_541, %get3A_542] {strides = array<i32>} : memref<3x768xf32, #tpu.memory_space<vmem>>, vector<1x16xf32>,
      %get3A_544 = vector.shape_cast %get3A_543 : vector<1x16xf32> to vector<16xf32>
      %get3A_545 = arith.index_cast %rem3A_520 : i32 to index
      %get3A_546 = arith.constant 96 : index
      %get3A_547 = tpu.vector_load %arg7[%get3A_545, %get3A_546] {strides = array<i32>} : memref<3x768xf32, #tpu.memory_space<vmem>>, vector<1x16xf32>,
      %get3A_548 = vector.shape_cast %get3A_547 : vector<1x16xf32> to vector<16xf32>
      %get3A_549 = arith.index_cast %rem3A_520 : i32 to index
      %get3A_550 = arith.constant 112 : index
      %get3A_551 = tpu.vector_load %arg7[%get3A_549, %get3A_550] {strides = array<i32>} : memref<3x768xf32, #tpu.memory_space<vmem>>, vector<1x16xf32>,
      %get3A_552 = vector.shape_cast %get3A_551 : vector<1x16xf32> to vector<16xf32>
      %get3A_553 = arith.index_cast %rem3A_520 : i32 to index
      %get3A_554 = arith.constant 128 : index
      %get3A_555 = tpu.vector_load %arg7[%get3A_553, %get3A_554] {strides = array<i32>} : memref<3x768xf32, #tpu.memory_space<vmem>>, vector<1x16xf32>,
      %get3A_556 = vector.shape_cast %get3A_555 : vector<1x16xf32> to vector<16xf32>
      %get3A_557 = arith.index_cast %rem3A_520 : i32 to index
      %get3A_558 = arith.constant 144 : index
      %get3A_559 = tpu.vector_load %arg7[%get3A_557, %get3A_558] {strides = array<i32>} : memref<3x768xf32, #tpu.memory_space<vmem>>, vector<1x16xf32>,
      %get3A_560 = vector.shape_cast %get3A_559 : vector<1x16xf32> to vector<16xf32>
      %get3A_561 = arith.index_cast %rem3A_520 : i32 to index
      %get3A_562 = arith.constant 160 : index
      %get3A_563 = tpu.vector_load %arg7[%get3A_561, %get3A_562] {strides = array<i32>} : memref<3x768xf32, #tpu.memory_space<vmem>>, vector<1x16xf32>,
      %get3A_564 = vector.shape_cast %get3A_563 : vector<1x16xf32> to vector<16xf32>
      %get3A_565 = arith.index_cast %rem3A_520 : i32 to index
      %get3A_566 = arith.constant 176 : index
      %get3A_567 = tpu.vector_load %arg7[%get3A_565, %get3A_566] {strides = array<i32>} : memref<3x768xf32, #tpu.memory_space<vmem>>, vector<1x16xf32>,
      %get3A_568 = vector.shape_cast %get3A_567 : vector<1x16xf32> to vector<16xf32>
      %get3A_569 = arith.index_cast %rem3A_520 : i32 to index
      %get3A_570 = arith.constant 192 : index
      %get3A_571 = tpu.vector_load %arg7[%get3A_569, %get3A_570] {strides = array<i32>} : memref<3x768xf32, #tpu.memory_space<vmem>>, vector<1x16xf32>,
      %get3A_572 = vector.shape_cast %get3A_571 : vector<1x16xf32> to vector<16xf32>
      %get3A_573 = arith.index_cast %rem3A_520 : i32 to index
      %get3A_574 = arith.constant 208 : index
      %get3A_575 = tpu.vector_load %arg7[%get3A_573, %get3A_574] {strides = array<i32>} : memref<3x768xf32, #tpu.memory_space<vmem>>, vector<1x16xf32>,
      %get3A_576 = vector.shape_cast %get3A_575 : vector<1x16xf32> to vector<16xf32>
      %get3A_577 = arith.index_cast %rem3A_520 : i32 to index
      %get3A_578 = arith.constant 224 : index
      %get3A_579 = tpu.vector_load %arg7[%get3A_577, %get3A_578] {strides = array<i32>} : memref<3x768xf32, #tpu.memory_space<vmem>>, vector<1x16xf32>,
      %get3A_580 = vector.shape_cast %get3A_579 : vector<1x16xf32> to vector<16xf32>
      %get3A_581 = arith.index_cast %rem3A_520 : i32 to index
      %get3A_582 = arith.constant 240 : index
      %get3A_583 = tpu.vector_load %arg7[%get3A_581, %get3A_582] {strides = array<i32>} : memref<3x768xf32, #tpu.memory_space<vmem>>, vector<1x16xf32>,
      %get3A_584 = vector.shape_cast %get3A_583 : vector<1x16xf32> to vector<16xf32>
      %get3A_585 = arith.index_cast %rem3A_520 : i32 to index
      %get3A_586 = arith.constant 256 : index
      %get3A_587 = tpu.vector_load %arg7[%get3A_585, %get3A_586] {strides = array<i32>} : memref<3x768xf32, #tpu.memory_space<vmem>>, vector<1x16xf32>,
      %get3A_588 = vector.shape_cast %get3A_587 : vector<1x16xf32> to vector<16xf32>
      %get3A_589 = arith.index_cast %rem3A_520 : i32 to index
      %get3A_590 = arith.constant 272 : index
      %get3A_591 = tpu.vector_load %arg7[%get3A_589, %get3A_590] {strides = array<i32>} : memref<3x768xf32, #tpu.memory_space<vmem>>, vector<1x16xf32>,
      %get3A_592 = vector.shape_cast %get3A_591 : vector<1x16xf32> to vector<16xf32>
      %get3A_593 = arith.index_cast %rem3A_520 : i32 to index
      %get3A_594 = arith.constant 288 : index
      %get3A_595 = tpu.vector_load %arg7[%get3A_593, %get3A_594] {strides = array<i32>} : memref<3x768xf32, #tpu.memory_space<vmem>>, vector<1x16xf32>,
      %get3A_596 = vector.shape_cast %get3A_595 : vector<1x16xf32> to vector<16xf32>
      %get3A_597 = arith.index_cast %rem3A_520 : i32 to index
      %get3A_598 = arith.constant 304 : index
      %get3A_599 = tpu.vector_load %arg7[%get3A_597, %get3A_598] {strides = array<i32>} : memref<3x768xf32, #tpu.memory_space<vmem>>, vector<1x16xf32>,
      %get3A_600 = vector.shape_cast %get3A_599 : vector<1x16xf32> to vector<16xf32>
      %get3A_601 = arith.index_cast %rem3A_520 : i32 to index
      %get3A_602 = arith.constant 320 : index
      %get3A_603 = tpu.vector_load %arg7[%get3A_601, %get3A_602] {strides = array<i32>} : memref<3x768xf32, #tpu.memory_space<vmem>>, vector<1x16xf32>,
      %get3A_604 = vector.shape_cast %get3A_603 : vector<1x16xf32> to vector<16xf32>
      %get3A_605 = arith.index_cast %rem3A_520 : i32 to index
      %get3A_606 = arith.constant 336 : index
      %get3A_607 = tpu.vector_load %arg7[%get3A_605, %get3A_606] {strides = array<i32>} : memref<3x768xf32, #tpu.memory_space<vmem>>, vector<1x16xf32>,
      %get3A_608 = vector.shape_cast %get3A_607 : vector<1x16xf32> to vector<16xf32>
      %get3A_609 = arith.index_cast %rem3A_520 : i32 to index
      %get3A_610 = arith.constant 352 : index
      %get3A_611 = tpu.vector_load %arg7[%get3A_609, %get3A_610] {strides = array<i32>} : memref<3x768xf32, #tpu.memory_space<vmem>>, vector<1x16xf32>,
      %get3A_612 = vector.shape_cast %get3A_611 : vector<1x16xf32> to vector<16xf32>
      %get3A_613 = arith.index_cast %rem3A_520 : i32 to index
      %get3A_614 = arith.constant 368 : index
      %get3A_615 = tpu.vector_load %arg7[%get3A_613, %get3A_614] {strides = array<i32>} : memref<3x768xf32, #tpu.memory_space<vmem>>, vector<1x16xf32>,
      %get3A_616 = vector.shape_cast %get3A_615 : vector<1x16xf32> to vector<16xf32>
      %scan3A_617 = arith.constant 0 : i32
      %scan3A_618 = arith.constant 64 : i32
      %scan3A_619 = arith.addi %scan3A_617, %scan3A_618 : i32
      %scan3A_620 = arith.constant 1 : i32
      scf.for %scan3A_771 = %scan3A_617 to %scan3A_619 step %scan3A_620  : i32 {
        %swap3A = arith.constant 0 : i32
        %swap3A_772 = arith.index_cast %scan3A_771 : i32 to index
        %swap3A_773 = arith.index_cast %swap3A : i32 to index
        %swap3A_774 = arith.constant 0 : index
        %swap3A_775 = tpu.vector_load %arg9[%swap3A_772, %swap3A_773, %swap3A_774] {strides = array<i32>} : memref<64x1x768xf32, #tpu.memory_space<vmem>>, vector<1x1x16xf32>,
        %swap3A_776 = vector.shape_cast %swap3A_775 : vector<1x1x16xf32> to vector<16xf32>
        %swap3A_777 = vector.shape_cast %get3A_524 : vector<16xf32> to vector<1x1x16xf32>
        tpu.vector_store %arg9[%swap3A_772, %swap3A_773, %swap3A_774], %swap3A_777 {add = true, strides = array<i32>} : memref<64x1x768xf32, #tpu.memory_space<vmem>>, vector<1x1x16xf32>,
        %swap3A_778 = arith.constant 0 : i32
        %swap3A_779 = arith.index_cast %scan3A_771 : i32 to index
        %swap3A_780 = arith.index_cast %swap3A_778 : i32 to index
        %swap3A_781 = arith.constant 16 : index
        %swap3A_782 = tpu.vector_load %arg9[%swap3A_779, %swap3A_780, %swap3A_781] {strides = array<i32>} : memref<64x1x768xf32, #tpu.memory_space<vmem>>, vector<1x1x16xf32>,
        %swap3A_783 = vector.shape_cast %swap3A_782 : vector<1x1x16xf32> to vector<16xf32>
        %swap3A_784 = vector.shape_cast %get3A_528 : vector<16xf32> to vector<1x1x16xf32>
        tpu.vector_store %arg9[%swap3A_779, %swap3A_780, %swap3A_781], %swap3A_784 {add = true, strides = array<i32>} : memref<64x1x768xf32, #tpu.memory_space<vmem>>, vector<1x1x16xf32>,
        %swap3A_785 = arith.constant 0 : i32
        %swap3A_786 = arith.index_cast %scan3A_771 : i32 to index
        %swap3A_787 = arith.index_cast %swap3A_785 : i32 to index
        %swap3A_788 = arith.constant 32 : index
        %swap3A_789 = tpu.vector_load %arg9[%swap3A_786, %swap3A_787, %swap3A_788] {strides = array<i32>} : memref<64x1x768xf32, #tpu.memory_space<vmem>>, vector<1x1x16xf32>,
        %swap3A_790 = vector.shape_cast %swap3A_789 : vector<1x1x16xf32> to vector<16xf32>
        %swap3A_791 = vector.shape_cast %get3A_532 : vector<16xf32> to vector<1x1x16xf32>
        tpu.vector_store %arg9[%swap3A_786, %swap3A_787, %swap3A_788], %swap3A_791 {add = true, strides = array<i32>} : memref<64x1x768xf32, #tpu.memory_space<vmem>>, vector<1x1x16xf32>,
        %swap3A_792 = arith.constant 0 : i32
        %swap3A_793 = arith.index_cast %scan3A_771 : i32 to index
        %swap3A_794 = arith.index_cast %swap3A_792 : i32 to index
        %swap3A_795 = arith.constant 48 : index
        %swap3A_796 = tpu.vector_load %arg9[%swap3A_793, %swap3A_794, %swap3A_795] {strides = array<i32>} : memref<64x1x768xf32, #tpu.memory_space<vmem>>, vector<1x1x16xf32>,
        %swap3A_797 = vector.shape_cast %swap3A_796 : vector<1x1x16xf32> to vector<16xf32>
        %swap3A_798 = vector.shape_cast %get3A_536 : vector<16xf32> to vector<1x1x16xf32>
        tpu.vector_store %arg9[%swap3A_793, %swap3A_794, %swap3A_795], %swap3A_798 {add = true, strides = array<i32>} : memref<64x1x768xf32, #tpu.memory_space<vmem>>, vector<1x1x16xf32>,
        %swap3A_799 = arith.constant 0 : i32
        %swap3A_800 = arith.index_cast %scan3A_771 : i32 to index
        %swap3A_801 = arith.index_cast %swap3A_799 : i32 to index
        %swap3A_802 = arith.constant 64 : index
        %swap3A_803 = tpu.vector_load %arg9[%swap3A_800, %swap3A_801, %swap3A_802] {strides = array<i32>} : memref<64x1x768xf32, #tpu.memory_space<vmem>>, vector<1x1x16xf32>,
        %swap3A_804 = vector.shape_cast %swap3A_803 : vector<1x1x16xf32> to vector<16xf32>
        %swap3A_805 = vector.shape_cast %get3A_540 : vector<16xf32> to vector<1x1x16xf32>
        tpu.vector_store %arg9[%swap3A_800, %swap3A_801, %swap3A_802], %swap3A_805 {add = true, strides = array<i32>} : memref<64x1x768xf32, #tpu.memory_space<vmem>>, vector<1x1x16xf32>,
        %swap3A_806 = arith.constant 0 : i32
        %swap3A_807 = arith.index_cast %scan3A_771 : i32 to index
        %swap3A_808 = arith.index_cast %swap3A_806 : i32 to index
        %swap3A_809 = arith.constant 80 : index
        %swap3A_810 = tpu.vector_load %arg9[%swap3A_807, %swap3A_808, %swap3A_809] {strides = array<i32>} : memref<64x1x768xf32, #tpu.memory_space<vmem>>, vector<1x1x16xf32>,
        %swap3A_811 = vector.shape_cast %swap3A_810 : vector<1x1x16xf32> to vector<16xf32>
        %swap3A_812 = vector.shape_cast %get3A_544 : vector<16xf32> to vector<1x1x16xf32>
        tpu.vector_store %arg9[%swap3A_807, %swap3A_808, %swap3A_809], %swap3A_812 {add = true, strides = array<i32>} : memref<64x1x768xf32, #tpu.memory_space<vmem>>, vector<1x1x16xf32>,
        %swap3A_813 = arith.constant 0 : i32
        %swap3A_814 = arith.index_cast %scan3A_771 : i32 to index
        %swap3A_815 = arith.index_cast %swap3A_813 : i32 to index
        %swap3A_816 = arith.constant 96 : index
        %swap3A_817 = tpu.vector_load %arg9[%swap3A_814, %swap3A_815, %swap3A_816] {strides = array<i32>} : memref<64x1x768xf32, #tpu.memory_space<vmem>>, vector<1x1x16xf32>,
        %swap3A_818 = vector.shape_cast %swap3A_817 : vector<1x1x16xf32> to vector<16xf32>
        %swap3A_819 = vector.shape_cast %get3A_548 : vector<16xf32> to vector<1x1x16xf32>
        tpu.vector_store %arg9[%swap3A_814, %swap3A_815, %swap3A_816], %swap3A_819 {add = true, strides = array<i32>} : memref<64x1x768xf32, #tpu.memory_space<vmem>>, vector<1x1x16xf32>,
        %swap3A_820 = arith.constant 0 : i32
        %swap3A_821 = arith.index_cast %scan3A_771 : i32 to index
        %swap3A_822 = arith.index_cast %swap3A_820 : i32 to index
        %swap3A_823 = arith.constant 112 : index
        %swap3A_824 = tpu.vector_load %arg9[%swap3A_821, %swap3A_822, %swap3A_823] {strides = array<i32>} : memref<64x1x768xf32, #tpu.memory_space<vmem>>, vector<1x1x16xf32>,
        %swap3A_825 = vector.shape_cast %swap3A_824 : vector<1x1x16xf32> to vector<16xf32>
        %swap3A_826 = vector.shape_cast %get3A_552 : vector<16xf32> to vector<1x1x16xf32>
        tpu.vector_store %arg9[%swap3A_821, %swap3A_822, %swap3A_823], %swap3A_826 {add = true, strides = array<i32>} : memref<64x1x768xf32, #tpu.memory_space<vmem>>, vector<1x1x16xf32>,
        %swap3A_827 = arith.constant 0 : i32
        %swap3A_828 = arith.index_cast %scan3A_771 : i32 to index
        %swap3A_829 = arith.index_cast %swap3A_827 : i32 to index
        %swap3A_830 = arith.constant 128 : index
        %swap3A_831 = tpu.vector_load %arg9[%swap3A_828, %swap3A_829, %swap3A_830] {strides = array<i32>} : memref<64x1x768xf32, #tpu.memory_space<vmem>>, vector<1x1x16xf32>,
        %swap3A_832 = vector.shape_cast %swap3A_831 : vector<1x1x16xf32> to vector<16xf32>
        %swap3A_833 = vector.shape_cast %get3A_556 : vector<16xf32> to vector<1x1x16xf32>
        tpu.vector_store %arg9[%swap3A_828, %swap3A_829, %swap3A_830], %swap3A_833 {add = true, strides = array<i32>} : memref<64x1x768xf32, #tpu.memory_space<vmem>>, vector<1x1x16xf32>,
        %swap3A_834 = arith.constant 0 : i32
        %swap3A_835 = arith.index_cast %scan3A_771 : i32 to index
        %swap3A_836 = arith.index_cast %swap3A_834 : i32 to index
        %swap3A_837 = arith.constant 144 : index
        %swap3A_838 = tpu.vector_load %arg9[%swap3A_835, %swap3A_836, %swap3A_837] {strides = array<i32>} : memref<64x1x768xf32, #tpu.memory_space<vmem>>, vector<1x1x16xf32>,
        %swap3A_839 = vector.shape_cast %swap3A_838 : vector<1x1x16xf32> to vector<16xf32>
        %swap3A_840 = vector.shape_cast %get3A_560 : vector<16xf32> to vector<1x1x16xf32>
        tpu.vector_store %arg9[%swap3A_835, %swap3A_836, %swap3A_837], %swap3A_840 {add = true, strides = array<i32>} : memref<64x1x768xf32, #tpu.memory_space<vmem>>, vector<1x1x16xf32>,
        %swap3A_841 = arith.constant 0 : i32
        %swap3A_842 = arith.index_cast %scan3A_771 : i32 to index
        %swap3A_843 = arith.index_cast %swap3A_841 : i32 to index
        %swap3A_844 = arith.constant 160 : index
        %swap3A_845 = tpu.vector_load %arg9[%swap3A_842, %swap3A_843, %swap3A_844] {strides = array<i32>} : memref<64x1x768xf32, #tpu.memory_space<vmem>>, vector<1x1x16xf32>,
        %swap3A_846 = vector.shape_cast %swap3A_845 : vector<1x1x16xf32> to vector<16xf32>
        %swap3A_847 = vector.shape_cast %get3A_564 : vector<16xf32> to vector<1x1x16xf32>
        tpu.vector_store %arg9[%swap3A_842, %swap3A_843, %swap3A_844], %swap3A_847 {add = true, strides = array<i32>} : memref<64x1x768xf32, #tpu.memory_space<vmem>>, vector<1x1x16xf32>,
        %swap3A_848 = arith.constant 0 : i32
        %swap3A_849 = arith.index_cast %scan3A_771 : i32 to index
        %swap3A_850 = arith.index_cast %swap3A_848 : i32 to index
        %swap3A_851 = arith.constant 176 : index
        %swap3A_852 = tpu.vector_load %arg9[%swap3A_849, %swap3A_850, %swap3A_851] {strides = array<i32>} : memref<64x1x768xf32, #tpu.memory_space<vmem>>, vector<1x1x16xf32>,
        %swap3A_853 = vector.shape_cast %swap3A_852 : vector<1x1x16xf32> to vector<16xf32>
        %swap3A_854 = vector.shape_cast %get3A_568 : vector<16xf32> to vector<1x1x16xf32>
        tpu.vector_store %arg9[%swap3A_849, %swap3A_850, %swap3A_851], %swap3A_854 {add = true, strides = array<i32>} : memref<64x1x768xf32, #tpu.memory_space<vmem>>, vector<1x1x16xf32>,
        %swap3A_855 = arith.constant 0 : i32
        %swap3A_856 = arith.index_cast %scan3A_771 : i32 to index
        %swap3A_857 = arith.index_cast %swap3A_855 : i32 to index
        %swap3A_858 = arith.constant 192 : index
        %swap3A_859 = tpu.vector_load %arg9[%swap3A_856, %swap3A_857, %swap3A_858] {strides = array<i32>} : memref<64x1x768xf32, #tpu.memory_space<vmem>>, vector<1x1x16xf32>,
        %swap3A_860 = vector.shape_cast %swap3A_859 : vector<1x1x16xf32> to vector<16xf32>
        %swap3A_861 = vector.shape_cast %get3A_572 : vector<16xf32> to vector<1x1x16xf32>
        tpu.vector_store %arg9[%swap3A_856, %swap3A_857, %swap3A_858], %swap3A_861 {add = true, strides = array<i32>} : memref<64x1x768xf32, #tpu.memory_space<vmem>>, vector<1x1x16xf32>,
        %swap3A_862 = arith.constant 0 : i32
        %swap3A_863 = arith.index_cast %scan3A_771 : i32 to index
        %swap3A_864 = arith.index_cast %swap3A_862 : i32 to index
        %swap3A_865 = arith.constant 208 : index
        %swap3A_866 = tpu.vector_load %arg9[%swap3A_863, %swap3A_864, %swap3A_865] {strides = array<i32>} : memref<64x1x768xf32, #tpu.memory_space<vmem>>, vector<1x1x16xf32>,
        %swap3A_867 = vector.shape_cast %swap3A_866 : vector<1x1x16xf32> to vector<16xf32>
        %swap3A_868 = vector.shape_cast %get3A_576 : vector<16xf32> to vector<1x1x16xf32>
        tpu.vector_store %arg9[%swap3A_863, %swap3A_864, %swap3A_865], %swap3A_868 {add = true, strides = array<i32>} : memref<64x1x768xf32, #tpu.memory_space<vmem>>, vector<1x1x16xf32>,
        %swap3A_869 = arith.constant 0 : i32
        %swap3A_870 = arith.index_cast %scan3A_771 : i32 to index
        %swap3A_871 = arith.index_cast %swap3A_869 : i32 to index
        %swap3A_872 = arith.constant 224 : index
        %swap3A_873 = tpu.vector_load %arg9[%swap3A_870, %swap3A_871, %swap3A_872] {strides = array<i32>} : memref<64x1x768xf32, #tpu.memory_space<vmem>>, vector<1x1x16xf32>,
        %swap3A_874 = vector.shape_cast %swap3A_873 : vector<1x1x16xf32> to vector<16xf32>
        %swap3A_875 = vector.shape_cast %get3A_580 : vector<16xf32> to vector<1x1x16xf32>
        tpu.vector_store %arg9[%swap3A_870, %swap3A_871, %swap3A_872], %swap3A_875 {add = true, strides = array<i32>} : memref<64x1x768xf32, #tpu.memory_space<vmem>>, vector<1x1x16xf32>,
        %swap3A_876 = arith.constant 0 : i32
        %swap3A_877 = arith.index_cast %scan3A_771 : i32 to index
        %swap3A_878 = arith.index_cast %swap3A_876 : i32 to index
        %swap3A_879 = arith.constant 240 : index
        %swap3A_880 = tpu.vector_load %arg9[%swap3A_877, %swap3A_878, %swap3A_879] {strides = array<i32>} : memref<64x1x768xf32, #tpu.memory_space<vmem>>, vector<1x1x16xf32>,
        %swap3A_881 = vector.shape_cast %swap3A_880 : vector<1x1x16xf32> to vector<16xf32>
        %swap3A_882 = vector.shape_cast %get3A_584 : vector<16xf32> to vector<1x1x16xf32>
        tpu.vector_store %arg9[%swap3A_877, %swap3A_878, %swap3A_879], %swap3A_882 {add = true, strides = array<i32>} : memref<64x1x768xf32, #tpu.memory_space<vmem>>, vector<1x1x16xf32>,
        %swap3A_883 = arith.constant 0 : i32
        %swap3A_884 = arith.index_cast %scan3A_771 : i32 to index
        %swap3A_885 = arith.index_cast %swap3A_883 : i32 to index
        %swap3A_886 = arith.constant 256 : index
        %swap3A_887 = tpu.vector_load %arg9[%swap3A_884, %swap3A_885, %swap3A_886] {strides = array<i32>} : memref<64x1x768xf32, #tpu.memory_space<vmem>>, vector<1x1x16xf32>,
        %swap3A_888 = vector.shape_cast %swap3A_887 : vector<1x1x16xf32> to vector<16xf32>
        %swap3A_889 = vector.shape_cast %get3A_588 : vector<16xf32> to vector<1x1x16xf32>
        tpu.vector_store %arg9[%swap3A_884, %swap3A_885, %swap3A_886], %swap3A_889 {add = true, strides = array<i32>} : memref<64x1x768xf32, #tpu.memory_space<vmem>>, vector<1x1x16xf32>,
        %swap3A_890 = arith.constant 0 : i32
        %swap3A_891 = arith.index_cast %scan3A_771 : i32 to index
        %swap3A_892 = arith.index_cast %swap3A_890 : i32 to index
        %swap3A_893 = arith.constant 272 : index
        %swap3A_894 = tpu.vector_load %arg9[%swap3A_891, %swap3A_892, %swap3A_893] {strides = array<i32>} : memref<64x1x768xf32, #tpu.memory_space<vmem>>, vector<1x1x16xf32>,
        %swap3A_895 = vector.shape_cast %swap3A_894 : vector<1x1x16xf32> to vector<16xf32>
        %swap3A_896 = vector.shape_cast %get3A_592 : vector<16xf32> to vector<1x1x16xf32>
        tpu.vector_store %arg9[%swap3A_891, %swap3A_892, %swap3A_893], %swap3A_896 {add = true, strides = array<i32>} : memref<64x1x768xf32, #tpu.memory_space<vmem>>, vector<1x1x16xf32>,
        %swap3A_897 = arith.constant 0 : i32
        %swap3A_898 = arith.index_cast %scan3A_771 : i32 to index
        %swap3A_899 = arith.index_cast %swap3A_897 : i32 to index
        %swap3A_900 = arith.constant 288 : index
        %swap3A_901 = tpu.vector_load %arg9[%swap3A_898, %swap3A_899, %swap3A_900] {strides = array<i32>} : memref<64x1x768xf32, #tpu.memory_space<vmem>>, vector<1x1x16xf32>,
        %swap3A_902 = vector.shape_cast %swap3A_901 : vector<1x1x16xf32> to vector<16xf32>
        %swap3A_903 = vector.shape_cast %get3A_596 : vector<16xf32> to vector<1x1x16xf32>
        tpu.vector_store %arg9[%swap3A_898, %swap3A_899, %swap3A_900], %swap3A_903 {add = true, strides = array<i32>} : memref<64x1x768xf32, #tpu.memory_space<vmem>>, vector<1x1x16xf32>,
        %swap3A_904 = arith.constant 0 : i32
        %swap3A_905 = arith.index_cast %scan3A_771 : i32 to index
        %swap3A_906 = arith.index_cast %swap3A_904 : i32 to index
        %swap3A_907 = arith.constant 304 : index
        %swap3A_908 = tpu.vector_load %arg9[%swap3A_905, %swap3A_906, %swap3A_907] {strides = array<i32>} : memref<64x1x768xf32, #tpu.memory_space<vmem>>, vector<1x1x16xf32>,
        %swap3A_909 = vector.shape_cast %swap3A_908 : vector<1x1x16xf32> to vector<16xf32>
        %swap3A_910 = vector.shape_cast %get3A_600 : vector<16xf32> to vector<1x1x16xf32>
        tpu.vector_store %arg9[%swap3A_905, %swap3A_906, %swap3A_907], %swap3A_910 {add = true, strides = array<i32>} : memref<64x1x768xf32, #tpu.memory_space<vmem>>, vector<1x1x16xf32>,
        %swap3A_911 = arith.constant 0 : i32
        %swap3A_912 = arith.index_cast %scan3A_771 : i32 to index
        %swap3A_913 = arith.index_cast %swap3A_911 : i32 to index
        %swap3A_914 = arith.constant 320 : index
        %swap3A_915 = tpu.vector_load %arg9[%swap3A_912, %swap3A_913, %swap3A_914] {strides = array<i32>} : memref<64x1x768xf32, #tpu.memory_space<vmem>>, vector<1x1x16xf32>,
        %swap3A_916 = vector.shape_cast %swap3A_915 : vector<1x1x16xf32> to vector<16xf32>
        %swap3A_917 = vector.shape_cast %get3A_604 : vector<16xf32> to vector<1x1x16xf32>
        tpu.vector_store %arg9[%swap3A_912, %swap3A_913, %swap3A_914], %swap3A_917 {add = true, strides = array<i32>} : memref<64x1x768xf32, #tpu.memory_space<vmem>>, vector<1x1x16xf32>,
        %swap3A_918 = arith.constant 0 : i32
        %swap3A_919 = arith.index_cast %scan3A_771 : i32 to index
        %swap3A_920 = arith.index_cast %swap3A_918 : i32 to index
        %swap3A_921 = arith.constant 336 : index
        %swap3A_922 = tpu.vector_load %arg9[%swap3A_919, %swap3A_920, %swap3A_921] {strides = array<i32>} : memref<64x1x768xf32, #tpu.memory_space<vmem>>, vector<1x1x16xf32>,
        %swap3A_923 = vector.shape_cast %swap3A_922 : vector<1x1x16xf32> to vector<16xf32>
        %swap3A_924 = vector.shape_cast %get3A_608 : vector<16xf32> to vector<1x1x16xf32>
        tpu.vector_store %arg9[%swap3A_919, %swap3A_920, %swap3A_921], %swap3A_924 {add = true, strides = array<i32>} : memref<64x1x768xf32, #tpu.memory_space<vmem>>, vector<1x1x16xf32>,
        %swap3A_925 = arith.constant 0 : i32
        %swap3A_926 = arith.index_cast %scan3A_771 : i32 to index
        %swap3A_927 = arith.index_cast %swap3A_925 : i32 to index
        %swap3A_928 = arith.constant 352 : index
        %swap3A_929 = tpu.vector_load %arg9[%swap3A_926, %swap3A_927, %swap3A_928] {strides = array<i32>} : memref<64x1x768xf32, #tpu.memory_space<vmem>>, vector<1x1x16xf32>,
        %swap3A_930 = vector.shape_cast %swap3A_929 : vector<1x1x16xf32> to vector<16xf32>
        %swap3A_931 = vector.shape_cast %get3A_612 : vector<16xf32> to vector<1x1x16xf32>
        tpu.vector_store %arg9[%swap3A_926, %swap3A_927, %swap3A_928], %swap3A_931 {add = true, strides = array<i32>} : memref<64x1x768xf32, #tpu.memory_space<vmem>>, vector<1x1x16xf32>,
        %swap3A_932 = arith.constant 0 : i32
        %swap3A_933 = arith.index_cast %scan3A_771 : i32 to index
        %swap3A_934 = arith.index_cast %swap3A_932 : i32 to index
        %swap3A_935 = arith.constant 368 : index
        %swap3A_936 = tpu.vector_load %arg9[%swap3A_933, %swap3A_934, %swap3A_935] {strides = array<i32>} : memref<64x1x768xf32, #tpu.memory_space<vmem>>, vector<1x1x16xf32>,
        %swap3A_937 = vector.shape_cast %swap3A_936 : vector<1x1x16xf32> to vector<16xf32>
        %swap3A_938 = vector.shape_cast %get3A_616 : vector<16xf32> to vector<1x1x16xf32>
        tpu.vector_store %arg9[%swap3A_933, %swap3A_934, %swap3A_935], %swap3A_938 {add = true, strides = array<i32>} : memref<64x1x768xf32, #tpu.memory_space<vmem>>, vector<1x1x16xf32>,
      }
      %scan3A_621 = arith.constant 64 : i32
      %get3A_622 = arith.index_cast %rem3A_520 : i32 to index
      %get3A_623 = arith.constant 384 : index
      %get3A_624 = tpu.vector_load %arg7[%get3A_622, %get3A_623] {strides = array<i32>} : memref<3x768xf32, #tpu.memory_space<vmem>>, vector<1x16xf32>,
      %get3A_625 = vector.shape_cast %get3A_624 : vector<1x16xf32> to vector<16xf32>
      %get3A_626 = arith.index_cast %rem3A_520 : i32 to index
      %get3A_627 = arith.constant 400 : index
      %get3A_628 = tpu.vector_load %arg7[%get3A_626, %get3A_627] {strides = array<i32>} : memref<3x768xf32, #tpu.memory_space<vmem>>, vector<1x16xf32>,
      %get3A_629 = vector.shape_cast %get3A_628 : vector<1x16xf32> to vector<16xf32>
      %get3A_630 = arith.index_cast %rem3A_520 : i32 to index
      %get3A_631 = arith.constant 416 : index
      %get3A_632 = tpu.vector_load %arg7[%get3A_630, %get3A_631] {strides = array<i32>} : memref<3x768xf32, #tpu.memory_space<vmem>>, vector<1x16xf32>,
      %get3A_633 = vector.shape_cast %get3A_632 : vector<1x16xf32> to vector<16xf32>
      %get3A_634 = arith.index_cast %rem3A_520 : i32 to index
      %get3A_635 = arith.constant 432 : index
      %get3A_636 = tpu.vector_load %arg7[%get3A_634, %get3A_635] {strides = array<i32>} : memref<3x768xf32, #tpu.memory_space<vmem>>, vector<1x16xf32>,
      %get3A_637 = vector.shape_cast %get3A_636 : vector<1x16xf32> to vector<16xf32>
      %get3A_638 = arith.index_cast %rem3A_520 : i32 to index
      %get3A_639 = arith.constant 448 : index
      %get3A_640 = tpu.vector_load %arg7[%get3A_638, %get3A_639] {strides = array<i32>} : memref<3x768xf32, #tpu.memory_space<vmem>>, vector<1x16xf32>,
      %get3A_641 = vector.shape_cast %get3A_640 : vector<1x16xf32> to vector<16xf32>
      %get3A_642 = arith.index_cast %rem3A_520 : i32 to index
      %get3A_643 = arith.constant 464 : index
      %get3A_644 = tpu.vector_load %arg7[%get3A_642, %get3A_643] {strides = array<i32>} : memref<3x768xf32, #tpu.memory_space<vmem>>, vector<1x16xf32>,
      %get3A_645 = vector.shape_cast %get3A_644 : vector<1x16xf32> to vector<16xf32>
      %get3A_646 = arith.index_cast %rem3A_520 : i32 to index
      %get3A_647 = arith.constant 480 : index
      %get3A_648 = tpu.vector_load %arg7[%get3A_646, %get3A_647] {strides = array<i32>} : memref<3x768xf32, #tpu.memory_space<vmem>>, vector<1x16xf32>,
      %get3A_649 = vector.shape_cast %get3A_648 : vector<1x16xf32> to vector<16xf32>
      %get3A_650 = arith.index_cast %rem3A_520 : i32 to index
      %get3A_651 = arith.constant 496 : index
      %get3A_652 = tpu.vector_load %arg7[%get3A_650, %get3A_651] {strides = array<i32>} : memref<3x768xf32, #tpu.memory_space<vmem>>, vector<1x16xf32>,
      %get3A_653 = vector.shape_cast %get3A_652 : vector<1x16xf32> to vector<16xf32>
      %get3A_654 = arith.index_cast %rem3A_520 : i32 to index
      %get3A_655 = arith.constant 512 : index
      %get3A_656 = tpu.vector_load %arg7[%get3A_654, %get3A_655] {strides = array<i32>} : memref<3x768xf32, #tpu.memory_space<vmem>>, vector<1x16xf32>,
      %get3A_657 = vector.shape_cast %get3A_656 : vector<1x16xf32> to vector<16xf32>
      %get3A_658 = arith.index_cast %rem3A_520 : i32 to index
      %get3A_659 = arith.constant 528 : index
      %get3A_660 = tpu.vector_load %arg7[%get3A_658, %get3A_659] {strides = array<i32>} : memref<3x768xf32, #tpu.memory_space<vmem>>, vector<1x16xf32>,
      %get3A_661 = vector.shape_cast %get3A_660 : vector<1x16xf32> to vector<16xf32>
      %get3A_662 = arith.index_cast %rem3A_520 : i32 to index
      %get3A_663 = arith.constant 544 : index
      %get3A_664 = tpu.vector_load %arg7[%get3A_662, %get3A_663] {strides = array<i32>} : memref<3x768xf32, #tpu.memory_space<vmem>>, vector<1x16xf32>,
      %get3A_665 = vector.shape_cast %get3A_664 : vector<1x16xf32> to vector<16xf32>
      %get3A_666 = arith.index_cast %rem3A_520 : i32 to index
      %get3A_667 = arith.constant 560 : index
      %get3A_668 = tpu.vector_load %arg7[%get3A_666, %get3A_667] {strides = array<i32>} : memref<3x768xf32, #tpu.memory_space<vmem>>, vector<1x16xf32>,
      %get3A_669 = vector.shape_cast %get3A_668 : vector<1x16xf32> to vector<16xf32>
      %get3A_670 = arith.index_cast %rem3A_520 : i32 to index
      %get3A_671 = arith.constant 576 : index
      %get3A_672 = tpu.vector_load %arg7[%get3A_670, %get3A_671] {strides = array<i32>} : memref<3x768xf32, #tpu.memory_space<vmem>>, vector<1x16xf32>,
      %get3A_673 = vector.shape_cast %get3A_672 : vector<1x16xf32> to vector<16xf32>
      %get3A_674 = arith.index_cast %rem3A_520 : i32 to index
      %get3A_675 = arith.constant 592 : index
      %get3A_676 = tpu.vector_load %arg7[%get3A_674, %get3A_675] {strides = array<i32>} : memref<3x768xf32, #tpu.memory_space<vmem>>, vector<1x16xf32>,
      %get3A_677 = vector.shape_cast %get3A_676 : vector<1x16xf32> to vector<16xf32>
      %get3A_678 = arith.index_cast %rem3A_520 : i32 to index
      %get3A_679 = arith.constant 608 : index
      %get3A_680 = tpu.vector_load %arg7[%get3A_678, %get3A_679] {strides = array<i32>} : memref<3x768xf32, #tpu.memory_space<vmem>>, vector<1x16xf32>,
      %get3A_681 = vector.shape_cast %get3A_680 : vector<1x16xf32> to vector<16xf32>
      %get3A_682 = arith.index_cast %rem3A_520 : i32 to index
      %get3A_683 = arith.constant 624 : index
      %get3A_684 = tpu.vector_load %arg7[%get3A_682, %get3A_683] {strides = array<i32>} : memref<3x768xf32, #tpu.memory_space<vmem>>, vector<1x16xf32>,
      %get3A_685 = vector.shape_cast %get3A_684 : vector<1x16xf32> to vector<16xf32>
      %get3A_686 = arith.index_cast %rem3A_520 : i32 to index
      %get3A_687 = arith.constant 640 : index
      %get3A_688 = tpu.vector_load %arg7[%get3A_686, %get3A_687] {strides = array<i32>} : memref<3x768xf32, #tpu.memory_space<vmem>>, vector<1x16xf32>,
      %get3A_689 = vector.shape_cast %get3A_688 : vector<1x16xf32> to vector<16xf32>
      %get3A_690 = arith.index_cast %rem3A_520 : i32 to index
      %get3A_691 = arith.constant 656 : index
      %get3A_692 = tpu.vector_load %arg7[%get3A_690, %get3A_691] {strides = array<i32>} : memref<3x768xf32, #tpu.memory_space<vmem>>, vector<1x16xf32>,
      %get3A_693 = vector.shape_cast %get3A_692 : vector<1x16xf32> to vector<16xf32>
      %get3A_694 = arith.index_cast %rem3A_520 : i32 to index
      %get3A_695 = arith.constant 672 : index
      %get3A_696 = tpu.vector_load %arg7[%get3A_694, %get3A_695] {strides = array<i32>} : memref<3x768xf32, #tpu.memory_space<vmem>>, vector<1x16xf32>,
      %get3A_697 = vector.shape_cast %get3A_696 : vector<1x16xf32> to vector<16xf32>
      %get3A_698 = arith.index_cast %rem3A_520 : i32 to index
      %get3A_699 = arith.constant 688 : index
      %get3A_700 = tpu.vector_load %arg7[%get3A_698, %get3A_699] {strides = array<i32>} : memref<3x768xf32, #tpu.memory_space<vmem>>, vector<1x16xf32>,
      %get3A_701 = vector.shape_cast %get3A_700 : vector<1x16xf32> to vector<16xf32>
      %get3A_702 = arith.index_cast %rem3A_520 : i32 to index
      %get3A_703 = arith.constant 704 : index
      %get3A_704 = tpu.vector_load %arg7[%get3A_702, %get3A_703] {strides = array<i32>} : memref<3x768xf32, #tpu.memory_space<vmem>>, vector<1x16xf32>,
      %get3A_705 = vector.shape_cast %get3A_704 : vector<1x16xf32> to vector<16xf32>
      %get3A_706 = arith.index_cast %rem3A_520 : i32 to index
      %get3A_707 = arith.constant 720 : index
      %get3A_708 = tpu.vector_load %arg7[%get3A_706, %get3A_707] {strides = array<i32>} : memref<3x768xf32, #tpu.memory_space<vmem>>, vector<1x16xf32>,
      %get3A_709 = vector.shape_cast %get3A_708 : vector<1x16xf32> to vector<16xf32>
      %get3A_710 = arith.index_cast %rem3A_520 : i32 to index
      %get3A_711 = arith.constant 736 : index
      %get3A_712 = tpu.vector_load %arg7[%get3A_710, %get3A_711] {strides = array<i32>} : memref<3x768xf32, #tpu.memory_space<vmem>>, vector<1x16xf32>,
      %get3A_713 = vector.shape_cast %get3A_712 : vector<1x16xf32> to vector<16xf32>
      %get3A_714 = arith.index_cast %rem3A_520 : i32 to index
      %get3A_715 = arith.constant 752 : index
      %get3A_716 = tpu.vector_load %arg7[%get3A_714, %get3A_715] {strides = array<i32>} : memref<3x768xf32, #tpu.memory_space<vmem>>, vector<1x16xf32>,
      %get3A_717 = vector.shape_cast %get3A_716 : vector<1x16xf32> to vector<16xf32>
      %scan3A_718 = arith.constant 0 : i32
      %scan3A_719 = arith.constant 64 : i32
      %scan3A_720 = arith.addi %scan3A_718, %scan3A_719 : i32
      %scan3A_721 = arith.constant 1 : i32
      scf.for %scan3A_771 = %scan3A_718 to %scan3A_720 step %scan3A_721  : i32 {
        %swap3A = arith.constant 0 : i32
        %swap3A_772 = arith.index_cast %scan3A_771 : i32 to index
        %swap3A_773 = arith.index_cast %swap3A : i32 to index
        %swap3A_774 = arith.constant 384 : index
        %swap3A_775 = tpu.vector_load %arg9[%swap3A_772, %swap3A_773, %swap3A_774] {strides = array<i32>} : memref<64x1x768xf32, #tpu.memory_space<vmem>>, vector<1x1x16xf32>,
        %swap3A_776 = vector.shape_cast %swap3A_775 : vector<1x1x16xf32> to vector<16xf32>
        %swap3A_777 = vector.shape_cast %get3A_625 : vector<16xf32> to vector<1x1x16xf32>
        tpu.vector_store %arg9[%swap3A_772, %swap3A_773, %swap3A_774], %swap3A_777 {add = true, strides = array<i32>} : memref<64x1x768xf32, #tpu.memory_space<vmem>>, vector<1x1x16xf32>,
        %swap3A_778 = arith.constant 0 : i32
        %swap3A_779 = arith.index_cast %scan3A_771 : i32 to index
        %swap3A_780 = arith.index_cast %swap3A_778 : i32 to index
        %swap3A_781 = arith.constant 400 : index
        %swap3A_782 = tpu.vector_load %arg9[%swap3A_779, %swap3A_780, %swap3A_781] {strides = array<i32>} : memref<64x1x768xf32, #tpu.memory_space<vmem>>, vector<1x1x16xf32>,
        %swap3A_783 = vector.shape_cast %swap3A_782 : vector<1x1x16xf32> to vector<16xf32>
        %swap3A_784 = vector.shape_cast %get3A_629 : vector<16xf32> to vector<1x1x16xf32>
        tpu.vector_store %arg9[%swap3A_779, %swap3A_780, %swap3A_781], %swap3A_784 {add = true, strides = array<i32>} : memref<64x1x768xf32, #tpu.memory_space<vmem>>, vector<1x1x16xf32>,
        %swap3A_785 = arith.constant 0 : i32
        %swap3A_786 = arith.index_cast %scan3A_771 : i32 to index
        %swap3A_787 = arith.index_cast %swap3A_785 : i32 to index
        %swap3A_788 = arith.constant 416 : index
        %swap3A_789 = tpu.vector_load %arg9[%swap3A_786, %swap3A_787, %swap3A_788] {strides = array<i32>} : memref<64x1x768xf32, #tpu.memory_space<vmem>>, vector<1x1x16xf32>,
        %swap3A_790 = vector.shape_cast %swap3A_789 : vector<1x1x16xf32> to vector<16xf32>
        %swap3A_791 = vector.shape_cast %get3A_633 : vector<16xf32> to vector<1x1x16xf32>
        tpu.vector_store %arg9[%swap3A_786, %swap3A_787, %swap3A_788], %swap3A_791 {add = true, strides = array<i32>} : memref<64x1x768xf32, #tpu.memory_space<vmem>>, vector<1x1x16xf32>,
        %swap3A_792 = arith.constant 0 : i32
        %swap3A_793 = arith.index_cast %scan3A_771 : i32 to index
        %swap3A_794 = arith.index_cast %swap3A_792 : i32 to index
        %swap3A_795 = arith.constant 432 : index
        %swap3A_796 = tpu.vector_load %arg9[%swap3A_793, %swap3A_794, %swap3A_795] {strides = array<i32>} : memref<64x1x768xf32, #tpu.memory_space<vmem>>, vector<1x1x16xf32>,
        %swap3A_797 = vector.shape_cast %swap3A_796 : vector<1x1x16xf32> to vector<16xf32>
        %swap3A_798 = vector.shape_cast %get3A_637 : vector<16xf32> to vector<1x1x16xf32>
        tpu.vector_store %arg9[%swap3A_793, %swap3A_794, %swap3A_795], %swap3A_798 {add = true, strides = array<i32>} : memref<64x1x768xf32, #tpu.memory_space<vmem>>, vector<1x1x16xf32>,
        %swap3A_799 = arith.constant 0 : i32
        %swap3A_800 = arith.index_cast %scan3A_771 : i32 to index
        %swap3A_801 = arith.index_cast %swap3A_799 : i32 to index
        %swap3A_802 = arith.constant 448 : index
        %swap3A_803 = tpu.vector_load %arg9[%swap3A_800, %swap3A_801, %swap3A_802] {strides = array<i32>} : memref<64x1x768xf32, #tpu.memory_space<vmem>>, vector<1x1x16xf32>,
        %swap3A_804 = vector.shape_cast %swap3A_803 : vector<1x1x16xf32> to vector<16xf32>
        %swap3A_805 = vector.shape_cast %get3A_641 : vector<16xf32> to vector<1x1x16xf32>
        tpu.vector_store %arg9[%swap3A_800, %swap3A_801, %swap3A_802], %swap3A_805 {add = true, strides = array<i32>} : memref<64x1x768xf32, #tpu.memory_space<vmem>>, vector<1x1x16xf32>,
        %swap3A_806 = arith.constant 0 : i32
        %swap3A_807 = arith.index_cast %scan3A_771 : i32 to index
        %swap3A_808 = arith.index_cast %swap3A_806 : i32 to index
        %swap3A_809 = arith.constant 464 : index
        %swap3A_810 = tpu.vector_load %arg9[%swap3A_807, %swap3A_808, %swap3A_809] {strides = array<i32>} : memref<64x1x768xf32, #tpu.memory_space<vmem>>, vector<1x1x16xf32>,
        %swap3A_811 = vector.shape_cast %swap3A_810 : vector<1x1x16xf32> to vector<16xf32>
        %swap3A_812 = vector.shape_cast %get3A_645 : vector<16xf32> to vector<1x1x16xf32>
        tpu.vector_store %arg9[%swap3A_807, %swap3A_808, %swap3A_809], %swap3A_812 {add = true, strides = array<i32>} : memref<64x1x768xf32, #tpu.memory_space<vmem>>, vector<1x1x16xf32>,
        %swap3A_813 = arith.constant 0 : i32
        %swap3A_814 = arith.index_cast %scan3A_771 : i32 to index
        %swap3A_815 = arith.index_cast %swap3A_813 : i32 to index
        %swap3A_816 = arith.constant 480 : index
        %swap3A_817 = tpu.vector_load %arg9[%swap3A_814, %swap3A_815, %swap3A_816] {strides = array<i32>} : memref<64x1x768xf32, #tpu.memory_space<vmem>>, vector<1x1x16xf32>,
        %swap3A_818 = vector.shape_cast %swap3A_817 : vector<1x1x16xf32> to vector<16xf32>
        %swap3A_819 = vector.shape_cast %get3A_649 : vector<16xf32> to vector<1x1x16xf32>
        tpu.vector_store %arg9[%swap3A_814, %swap3A_815, %swap3A_816], %swap3A_819 {add = true, strides = array<i32>} : memref<64x1x768xf32, #tpu.memory_space<vmem>>, vector<1x1x16xf32>,
        %swap3A_820 = arith.constant 0 : i32
        %swap3A_821 = arith.index_cast %scan3A_771 : i32 to index
        %swap3A_822 = arith.index_cast %swap3A_820 : i32 to index
        %swap3A_823 = arith.constant 496 : index
        %swap3A_824 = tpu.vector_load %arg9[%swap3A_821, %swap3A_822, %swap3A_823] {strides = array<i32>} : memref<64x1x768xf32, #tpu.memory_space<vmem>>, vector<1x1x16xf32>,
        %swap3A_825 = vector.shape_cast %swap3A_824 : vector<1x1x16xf32> to vector<16xf32>
        %swap3A_826 = vector.shape_cast %get3A_653 : vector<16xf32> to vector<1x1x16xf32>
        tpu.vector_store %arg9[%swap3A_821, %swap3A_822, %swap3A_823], %swap3A_826 {add = true, strides = array<i32>} : memref<64x1x768xf32, #tpu.memory_space<vmem>>, vector<1x1x16xf32>,
        %swap3A_827 = arith.constant 0 : i32
        %swap3A_828 = arith.index_cast %scan3A_771 : i32 to index
        %swap3A_829 = arith.index_cast %swap3A_827 : i32 to index
        %swap3A_830 = arith.constant 512 : index
        %swap3A_831 = tpu.vector_load %arg9[%swap3A_828, %swap3A_829, %swap3A_830] {strides = array<i32>} : memref<64x1x768xf32, #tpu.memory_space<vmem>>, vector<1x1x16xf32>,
        %swap3A_832 = vector.shape_cast %swap3A_831 : vector<1x1x16xf32> to vector<16xf32>
        %swap3A_833 = vector.shape_cast %get3A_657 : vector<16xf32> to vector<1x1x16xf32>
        tpu.vector_store %arg9[%swap3A_828, %swap3A_829, %swap3A_830], %swap3A_833 {add = true, strides = array<i32>} : memref<64x1x768xf32, #tpu.memory_space<vmem>>, vector<1x1x16xf32>,
        %swap3A_834 = arith.constant 0 : i32
        %swap3A_835 = arith.index_cast %scan3A_771 : i32 to index
        %swap3A_836 = arith.index_cast %swap3A_834 : i32 to index
        %swap3A_837 = arith.constant 528 : index
        %swap3A_838 = tpu.vector_load %arg9[%swap3A_835, %swap3A_836, %swap3A_837] {strides = array<i32>} : memref<64x1x768xf32, #tpu.memory_space<vmem>>, vector<1x1x16xf32>,
        %swap3A_839 = vector.shape_cast %swap3A_838 : vector<1x1x16xf32> to vector<16xf32>
        %swap3A_840 = vector.shape_cast %get3A_661 : vector<16xf32> to vector<1x1x16xf32>
        tpu.vector_store %arg9[%swap3A_835, %swap3A_836, %swap3A_837], %swap3A_840 {add = true, strides = array<i32>} : memref<64x1x768xf32, #tpu.memory_space<vmem>>, vector<1x1x16xf32>,
        %swap3A_841 = arith.constant 0 : i32
        %swap3A_842 = arith.index_cast %scan3A_771 : i32 to index
        %swap3A_843 = arith.index_cast %swap3A_841 : i32 to index
        %swap3A_844 = arith.constant 544 : index
        %swap3A_845 = tpu.vector_load %arg9[%swap3A_842, %swap3A_843, %swap3A_844] {strides = array<i32>} : memref<64x1x768xf32, #tpu.memory_space<vmem>>, vector<1x1x16xf32>,
        %swap3A_846 = vector.shape_cast %swap3A_845 : vector<1x1x16xf32> to vector<16xf32>
        %swap3A_847 = vector.shape_cast %get3A_665 : vector<16xf32> to vector<1x1x16xf32>
        tpu.vector_store %arg9[%swap3A_842, %swap3A_843, %swap3A_844], %swap3A_847 {add = true, strides = array<i32>} : memref<64x1x768xf32, #tpu.memory_space<vmem>>, vector<1x1x16xf32>,
        %swap3A_848 = arith.constant 0 : i32
        %swap3A_849 = arith.index_cast %scan3A_771 : i32 to index
        %swap3A_850 = arith.index_cast %swap3A_848 : i32 to index
        %swap3A_851 = arith.constant 560 : index
        %swap3A_852 = tpu.vector_load %arg9[%swap3A_849, %swap3A_850, %swap3A_851] {strides = array<i32>} : memref<64x1x768xf32, #tpu.memory_space<vmem>>, vector<1x1x16xf32>,
        %swap3A_853 = vector.shape_cast %swap3A_852 : vector<1x1x16xf32> to vector<16xf32>
        %swap3A_854 = vector.shape_cast %get3A_669 : vector<16xf32> to vector<1x1x16xf32>
        tpu.vector_store %arg9[%swap3A_849, %swap3A_850, %swap3A_851], %swap3A_854 {add = true, strides = array<i32>} : memref<64x1x768xf32, #tpu.memory_space<vmem>>, vector<1x1x16xf32>,
        %swap3A_855 = arith.constant 0 : i32
        %swap3A_856 = arith.index_cast %scan3A_771 : i32 to index
        %swap3A_857 = arith.index_cast %swap3A_855 : i32 to index
        %swap3A_858 = arith.constant 576 : index
        %swap3A_859 = tpu.vector_load %arg9[%swap3A_856, %swap3A_857, %swap3A_858] {strides = array<i32>} : memref<64x1x768xf32, #tpu.memory_space<vmem>>, vector<1x1x16xf32>,
        %swap3A_860 = vector.shape_cast %swap3A_859 : vector<1x1x16xf32> to vector<16xf32>
        %swap3A_861 = vector.shape_cast %get3A_673 : vector<16xf32> to vector<1x1x16xf32>
        tpu.vector_store %arg9[%swap3A_856, %swap3A_857, %swap3A_858], %swap3A_861 {add = true, strides = array<i32>} : memref<64x1x768xf32, #tpu.memory_space<vmem>>, vector<1x1x16xf32>,
        %swap3A_862 = arith.constant 0 : i32
        %swap3A_863 = arith.index_cast %scan3A_771 : i32 to index
        %swap3A_864 = arith.index_cast %swap3A_862 : i32 to index
        %swap3A_865 = arith.constant 592 : index
        %swap3A_866 = tpu.vector_load %arg9[%swap3A_863, %swap3A_864, %swap3A_865] {strides = array<i32>} : memref<64x1x768xf32, #tpu.memory_space<vmem>>, vector<1x1x16xf32>,
        %swap3A_867 = vector.shape_cast %swap3A_866 : vector<1x1x16xf32> to vector<16xf32>
        %swap3A_868 = vector.shape_cast %get3A_677 : vector<16xf32> to vector<1x1x16xf32>
        tpu.vector_store %arg9[%swap3A_863, %swap3A_864, %swap3A_865], %swap3A_868 {add = true, strides = array<i32>} : memref<64x1x768xf32, #tpu.memory_space<vmem>>, vector<1x1x16xf32>,
        %swap3A_869 = arith.constant 0 : i32
        %swap3A_870 = arith.index_cast %scan3A_771 : i32 to index
        %swap3A_871 = arith.index_cast %swap3A_869 : i32 to index
        %swap3A_872 = arith.constant 608 : index
        %swap3A_873 = tpu.vector_load %arg9[%swap3A_870, %swap3A_871, %swap3A_872] {strides = array<i32>} : memref<64x1x768xf32, #tpu.memory_space<vmem>>, vector<1x1x16xf32>,
        %swap3A_874 = vector.shape_cast %swap3A_873 : vector<1x1x16xf32> to vector<16xf32>
        %swap3A_875 = vector.shape_cast %get3A_681 : vector<16xf32> to vector<1x1x16xf32>
        tpu.vector_store %arg9[%swap3A_870, %swap3A_871, %swap3A_872], %swap3A_875 {add = true, strides = array<i32>} : memref<64x1x768xf32, #tpu.memory_space<vmem>>, vector<1x1x16xf32>,
        %swap3A_876 = arith.constant 0 : i32
        %swap3A_877 = arith.index_cast %scan3A_771 : i32 to index
        %swap3A_878 = arith.index_cast %swap3A_876 : i32 to index
        %swap3A_879 = arith.constant 624 : index
        %swap3A_880 = tpu.vector_load %arg9[%swap3A_877, %swap3A_878, %swap3A_879] {strides = array<i32>} : memref<64x1x768xf32, #tpu.memory_space<vmem>>, vector<1x1x16xf32>,
        %swap3A_881 = vector.shape_cast %swap3A_880 : vector<1x1x16xf32> to vector<16xf32>
        %swap3A_882 = vector.shape_cast %get3A_685 : vector<16xf32> to vector<1x1x16xf32>
        tpu.vector_store %arg9[%swap3A_877, %swap3A_878, %swap3A_879], %swap3A_882 {add = true, strides = array<i32>} : memref<64x1x768xf32, #tpu.memory_space<vmem>>, vector<1x1x16xf32>,
        %swap3A_883 = arith.constant 0 : i32
        %swap3A_884 = arith.index_cast %scan3A_771 : i32 to index
        %swap3A_885 = arith.index_cast %swap3A_883 : i32 to index
        %swap3A_886 = arith.constant 640 : index
        %swap3A_887 = tpu.vector_load %arg9[%swap3A_884, %swap3A_885, %swap3A_886] {strides = array<i32>} : memref<64x1x768xf32, #tpu.memory_space<vmem>>, vector<1x1x16xf32>,
        %swap3A_888 = vector.shape_cast %swap3A_887 : vector<1x1x16xf32> to vector<16xf32>
        %swap3A_889 = vector.shape_cast %get3A_689 : vector<16xf32> to vector<1x1x16xf32>
        tpu.vector_store %arg9[%swap3A_884, %swap3A_885, %swap3A_886], %swap3A_889 {add = true, strides = array<i32>} : memref<64x1x768xf32, #tpu.memory_space<vmem>>, vector<1x1x16xf32>,
        %swap3A_890 = arith.constant 0 : i32
        %swap3A_891 = arith.index_cast %scan3A_771 : i32 to index
        %swap3A_892 = arith.index_cast %swap3A_890 : i32 to index
        %swap3A_893 = arith.constant 656 : index
        %swap3A_894 = tpu.vector_load %arg9[%swap3A_891, %swap3A_892, %swap3A_893] {strides = array<i32>} : memref<64x1x768xf32, #tpu.memory_space<vmem>>, vector<1x1x16xf32>,
        %swap3A_895 = vector.shape_cast %swap3A_894 : vector<1x1x16xf32> to vector<16xf32>
        %swap3A_896 = vector.shape_cast %get3A_693 : vector<16xf32> to vector<1x1x16xf32>
        tpu.vector_store %arg9[%swap3A_891, %swap3A_892, %swap3A_893], %swap3A_896 {add = true, strides = array<i32>} : memref<64x1x768xf32, #tpu.memory_space<vmem>>, vector<1x1x16xf32>,
        %swap3A_897 = arith.constant 0 : i32
        %swap3A_898 = arith.index_cast %scan3A_771 : i32 to index
        %swap3A_899 = arith.index_cast %swap3A_897 : i32 to index
        %swap3A_900 = arith.constant 672 : index
        %swap3A_901 = tpu.vector_load %arg9[%swap3A_898, %swap3A_899, %swap3A_900] {strides = array<i32>} : memref<64x1x768xf32, #tpu.memory_space<vmem>>, vector<1x1x16xf32>,
        %swap3A_902 = vector.shape_cast %swap3A_901 : vector<1x1x16xf32> to vector<16xf32>
        %swap3A_903 = vector.shape_cast %get3A_697 : vector<16xf32> to vector<1x1x16xf32>
        tpu.vector_store %arg9[%swap3A_898, %swap3A_899, %swap3A_900], %swap3A_903 {add = true, strides = array<i32>} : memref<64x1x768xf32, #tpu.memory_space<vmem>>, vector<1x1x16xf32>,
        %swap3A_904 = arith.constant 0 : i32
        %swap3A_905 = arith.index_cast %scan3A_771 : i32 to index
        %swap3A_906 = arith.index_cast %swap3A_904 : i32 to index
        %swap3A_907 = arith.constant 688 : index
        %swap3A_908 = tpu.vector_load %arg9[%swap3A_905, %swap3A_906, %swap3A_907] {strides = array<i32>} : memref<64x1x768xf32, #tpu.memory_space<vmem>>, vector<1x1x16xf32>,
        %swap3A_909 = vector.shape_cast %swap3A_908 : vector<1x1x16xf32> to vector<16xf32>
        %swap3A_910 = vector.shape_cast %get3A_701 : vector<16xf32> to vector<1x1x16xf32>
        tpu.vector_store %arg9[%swap3A_905, %swap3A_906, %swap3A_907], %swap3A_910 {add = true, strides = array<i32>} : memref<64x1x768xf32, #tpu.memory_space<vmem>>, vector<1x1x16xf32>,
        %swap3A_911 = arith.constant 0 : i32
        %swap3A_912 = arith.index_cast %scan3A_771 : i32 to index
        %swap3A_913 = arith.index_cast %swap3A_911 : i32 to index
        %swap3A_914 = arith.constant 704 : index
        %swap3A_915 = tpu.vector_load %arg9[%swap3A_912, %swap3A_913, %swap3A_914] {strides = array<i32>} : memref<64x1x768xf32, #tpu.memory_space<vmem>>, vector<1x1x16xf32>,
        %swap3A_916 = vector.shape_cast %swap3A_915 : vector<1x1x16xf32> to vector<16xf32>
        %swap3A_917 = vector.shape_cast %get3A_705 : vector<16xf32> to vector<1x1x16xf32>
        tpu.vector_store %arg9[%swap3A_912, %swap3A_913, %swap3A_914], %swap3A_917 {add = true, strides = array<i32>} : memref<64x1x768xf32, #tpu.memory_space<vmem>>, vector<1x1x16xf32>,
        %swap3A_918 = arith.constant 0 : i32
        %swap3A_919 = arith.index_cast %scan3A_771 : i32 to index
        %swap3A_920 = arith.index_cast %swap3A_918 : i32 to index
        %swap3A_921 = arith.constant 720 : index
        %swap3A_922 = tpu.vector_load %arg9[%swap3A_919, %swap3A_920, %swap3A_921] {strides = array<i32>} : memref<64x1x768xf32, #tpu.memory_space<vmem>>, vector<1x1x16xf32>,
        %swap3A_923 = vector.shape_cast %swap3A_922 : vector<1x1x16xf32> to vector<16xf32>
        %swap3A_924 = vector.shape_cast %get3A_709 : vector<16xf32> to vector<1x1x16xf32>
        tpu.vector_store %arg9[%swap3A_919, %swap3A_920, %swap3A_921], %swap3A_924 {add = true, strides = array<i32>} : memref<64x1x768xf32, #tpu.memory_space<vmem>>, vector<1x1x16xf32>,
        %swap3A_925 = arith.constant 0 : i32
        %swap3A_926 = arith.index_cast %scan3A_771 : i32 to index
        %swap3A_927 = arith.index_cast %swap3A_925 : i32 to index
        %swap3A_928 = arith.constant 736 : index
        %swap3A_929 = tpu.vector_load %arg9[%swap3A_926, %swap3A_927, %swap3A_928] {strides = array<i32>} : memref<64x1x768xf32, #tpu.memory_space<vmem>>, vector<1x1x16xf32>,
        %swap3A_930 = vector.shape_cast %swap3A_929 : vector<1x1x16xf32> to vector<16xf32>
        %swap3A_931 = vector.shape_cast %get3A_713 : vector<16xf32> to vector<1x1x16xf32>
        tpu.vector_store %arg9[%swap3A_926, %swap3A_927, %swap3A_928], %swap3A_931 {add = true, strides = array<i32>} : memref<64x1x768xf32, #tpu.memory_space<vmem>>, vector<1x1x16xf32>,
        %swap3A_932 = arith.constant 0 : i32
        %swap3A_933 = arith.index_cast %scan3A_771 : i32 to index
        %swap3A_934 = arith.index_cast %swap3A_932 : i32 to index
        %swap3A_935 = arith.constant 752 : index
        %swap3A_936 = tpu.vector_load %arg9[%swap3A_933, %swap3A_934, %swap3A_935] {strides = array<i32>} : memref<64x1x768xf32, #tpu.memory_space<vmem>>, vector<1x1x16xf32>,
        %swap3A_937 = vector.shape_cast %swap3A_936 : vector<1x1x16xf32> to vector<16xf32>
        %swap3A_938 = vector.shape_cast %get3A_717 : vector<16xf32> to vector<1x1x16xf32>
        tpu.vector_store %arg9[%swap3A_933, %swap3A_934, %swap3A_935], %swap3A_938 {add = true, strides = array<i32>} : memref<64x1x768xf32, #tpu.memory_space<vmem>>, vector<1x1x16xf32>,
      }
      %scan3A_722 = arith.constant 64 : i32
      %jit3A_723 = arith.constant 2 : i32
      %eq3A_724 = arith.constant 0 : i32
      %eq3A_725 = arith.cmpi eq, %jit3A_723, %eq3A_724 : i32
      %jit3A_726 = arith.constant 1 : i32
      %select_n3A_727 = arith.select %eq3A_725, %jit3A_726, %jit3A_723 : i32
      %rem3A_728 = arith.remsi %add3A_434, %select_n3A_727 : i32
      %ne3A_729 = arith.constant 0 : i32
      %ne3A_730 = arith.cmpi ne, %rem3A_728, %ne3A_729 : i32
      %lt3A_731 = arith.constant 0 : i32
      %lt3A_732 = arith.cmpi slt, %rem3A_728, %lt3A_731 : i32
      %lt3A_733 = arith.constant 0 : i32
      %lt3A_734 = arith.cmpi slt, %select_n3A_727, %lt3A_733 : i32
      %ne3A_735 = arith.xori %lt3A_732, %lt3A_734 : i1
      %and3A_736 = arith.andi %ne3A_735, %ne3A_730 : i1
      %add3A_737 = arith.addi %rem3A_728, %select_n3A_727 : i32
      %select_n3A_738 = arith.select %and3A_736, %add3A_737, %rem3A_728 : i32
      %mul3A_739 = arith.constant 64 : i32
      %mul3A_740 = arith.muli %select_n3A_738, %mul3A_739 : i32
      %add3A_741 = arith.addi %mul3A_2, %mul3A_740 : i32
      %jit3A_742 = arith.constant 2 : i32
      %div3A_743 = arith.divsi %add3A_434, %jit3A_742 : i32
      %sign3A_744 = arith.constant 0 : i32
      %sign3A_745 = arith.cmpi sgt, %add3A_434, %sign3A_744 : i32
      %sign3A_746 = arith.extui %sign3A_745 : i1 to i32
      %sign3A_747 = arith.constant 0 : i32
      %sign3A_748 = arith.cmpi slt, %add3A_434, %sign3A_747 : i32
      %sign3A_749 = arith.extui %sign3A_748 : i1 to i32
      %sign3A_750 = arith.subi %sign3A_746, %sign3A_749 : i32
      %sign3A_751 = arith.constant 0 : i32
      %sign3A_752 = arith.cmpi sgt, %jit3A_742, %sign3A_751 : i32
      %sign3A_753 = arith.extui %sign3A_752 : i1 to i32
      %sign3A_754 = arith.constant 0 : i32
      %sign3A_755 = arith.cmpi slt, %jit3A_742, %sign3A_754 : i32
      %sign3A_756 = arith.extui %sign3A_755 : i1 to i32
      %sign3A_757 = arith.subi %sign3A_753, %sign3A_756 : i32
      %ne3A_758 = arith.cmpi ne, %sign3A_750, %sign3A_757 : i32
      %rem3A_759 = arith.remsi %add3A_434, %jit3A_742 : i32
      %ne3A_760 = arith.constant 0 : i32
      %ne3A_761 = arith.cmpi ne, %rem3A_759, %ne3A_760 : i32
      %and3A_762 = arith.andi %ne3A_758, %ne3A_761 : i1
      %sub3A_763 = arith.constant 1 : i32
      %sub3A_764 = arith.subi %div3A_743, %sub3A_763 : i32
      %select_n3A_765 = arith.select %and3A_762, %sub3A_764, %div3A_743 : i32
      %dma_start3A_766 = arith.constant 0 : i32
      %dma_start3A_767 = tpu.memref_slice %arg5[%add3A_741, %select_n3A_765, %dma_start3A_766] : memref<4096x77x768xf32, #tpu.memory_space<hbm>> -> memref<64x1x768xf32, #tpu.memory_space<hbm>>
      %dma_start3A_768 = arith.constant 0 : i32
      %dma_start3A_769 = tpu.memref_slice %arg5[%add3A_741, %select_n3A_765, %dma_start3A_768] : memref<4096x77x768xf32, #tpu.memory_space<hbm>> -> memref<64x1x768xf32, #tpu.memory_space<hbm>>
      tpu.enqueue_dma source(%arg9 : memref<64x1x768xf32, #tpu.memory_space<vmem>>) target(%dma_start3A_769 : memref<64x1x768xf32, #tpu.memory_space<hbm>>) target_semaphore(%arg14 : memref<!tpu.dma_semaphore, #tpu.memory_space<semaphore_mem>>)
      %scan3A_770 = arith.constant 0 : i32
      scf.yield %scan3A_770 : i32
    }
    %scan3A_58 = arith.constant 77 : i32
    %add3A_59 = arith.constant 64 : i32
    %add3A_60 = arith.addi %mul3A_2, %add3A_59 : i32
    %dma_wait3A_61 = arith.constant 76 : i32
    %dma_wait3A_62 = arith.constant 0 : i32
    %dma_wait3A_63 = tpu.memref_slice %arg5[%add3A_60, %dma_wait3A_61, %dma_wait3A_62] : memref<4096x77x768xf32, #tpu.memory_space<hbm>> -> memref<64x1x768xf32, #tpu.memory_space<hbm>>
    %dma_wait3A_64 = arith.constant 76 : i32
    %dma_wait3A_65 = arith.constant 0 : i32
    %dma_wait3A_66 = tpu.memref_slice %arg5[%add3A_60, %dma_wait3A_64, %dma_wait3A_65] : memref<4096x77x768xf32, #tpu.memory_space<hbm>> -> memref<64x1x768xf32, #tpu.memory_space<hbm>>
    tpu.wait_dma2 semaphore(%arg14 : memref<!tpu.dma_semaphore, #tpu.memory_space<semaphore_mem>>) src(%arg9 : memref<64x1x768xf32, #tpu.memory_space<vmem>>) dst(%dma_wait3A_66 : memref<64x1x768xf32, #tpu.memory_space<hbm>>)
    return
  }
}

</mosaic_0001>

<sc_bundles>
// kernel: kernel.3.cloned.1.call-start
scs
__scs_entry_jumppad:
0x0: {  	(pc) =	sbr.rel $0x88, $3  }
0x1: {  	(tag) =	ssettag $0x0;
	lr =	simm.s32 $0x1  }
0x2: {  	[smem:$0x3F9E] =	sst lr;
	_ =	strace $0xD0000000  }
0x3: {  	_ = 	snop  }
0x4: {  	_ = 	snop  }
0x5: {  	_ = 	snop  }
0x6: {  	_ = 	snop  }
0x7: {  	_ = 	snop  }
__scs_overlays_trampoline_lowered:
0x8: {  	[smem:$0x3FAD] =	sst s0  }
0x9: {  	[smem:$0x3FAE] =	sst s1  }
0xa: {  	[smem:$0x3FAF] =	sst s2  }
0xb: {  	[smem:$0x3FB0] =	sst s3  }
0xc: {  	[smem:$0x3FB1] =	sst s4  }
0xd: {  	[smem:$0x3FB2] =	sst s5  }
0xe: {  	[smem:$0x3FB3] =	sst s6  }
0xf: {  	[smem:$0x3FB4] =	sst s7  }
0x10: {  	[smem:$0x3FB5] =	sst s8  }
0x11: {  	[smem:$0x3FB6] =	sst s9;
	s0 =	simm.s32 @!p0 $0x0  }
0x12: {  	s1 =	sld [smem:$0x3F9C];
	s0 =	simm.s32 @p0 $0x1  }
0x13: {  	[smem:$0x3FB7] =	sst s0;
	s0 =	simm.s32 @!p1 $0x0  }
0x14: {  	s2 =	sld [smem:$0x3F9B];
	s0 =	simm.s32 @p1 $0x1  }
0x15: {  	[smem:$0x3FB8] =	sst s0;
	s0 =	simm.s32 @!p2 $0x0  }
0x16: {  	s3 =	sld [smem:$0x3FDB];
	s0 =	simm.s32 @p2 $0x1  }
0x17: {  	s4 =	simm.s32 $0x1BF5;
	[smem:$0x3FBA] =	sst s0  }
0x18: {  	s0 =	sld [smem:$0x3F9D];
	_ =	swait.ge [sflag:s4], $0x0  }
0x19: {  	s7 =	sld [smem:$0x3F9E]  }
0x1a: {  	s8 =	sadd.s32 $0xFFFFE003, lr  }
0x1b: {  	s9 =	sadd.s32 $0xFFFFFEF7, lr;
	s5 =	simm.s32 $0xFFFFFFFF;
	p2 =	slt.u32 s8, $0xFFFFF086  }
0x1c: {  	p1 =	slt.u32 s9, $0xF7A;
	s5 =	simm.s32 @!p2 $0x0  }
0x1d: {  	s5 =	simm.s32 @p1 $0x1;
	p0 =	seq.s32 s7, s2  }
0x1e: {  	s7 =	smul.u32 @!p0 $0xF7A, s2;
	p2 =	seq.s32 @!p0 s5, $0x0  }
0x1f: {  	s9 =	smul.u32 $0xF7A, s1;
	s8 =	simm.s32 @!p0 $0x1BF5;
	p2 =	por !p2, p0  }
0x20: {  	[sflag:s8] =	ssyncset.s32 @!p0 $0xFFFFF086;
	s6 =	sadd.s32 @!p0 s3, s7;
	s7 =	simm.s32 @!p0 $0x108  }
0x21: {  	s3 =	sadd.s32 s3, s9;
	s6 =	sadd.s32 @!p0 $0x88, s6;
	s7 =	simm.s32 @p2 $0x1082  }
0x22: {  	[simem:s7], [sflag:s8] =	dma.local @!p0 [hbm:s6], $0xF7A  }
0x23: {  	s9 =	sor.u32 $0xD0000000, s2;
	s6 =	simm.s32 $0x108;
	_ =	swait.ge @!p0 [sflag:s8], $0x0  }
0x24: {  	s3 =	sadd.s32 $0x88, s3;
	s6 =	simm.s32 @!p1 $0x1082;
	[sflag:s4] =	ssyncset.s32 $0xFFFFF086  }
0x25: {  	[simem:s6], [sflag:s4] =	dma.local [hbm:s3], $0xF7A  }
0x26: {  	[smem:$0x3F9E] =	sst s1;
	(tag) =	ssettag s2;
	_ =	strace s9  }
0x27: {  	s1 =	sld [smem:$0x3FAE]  }
0x28: {  	s2 =	sld [smem:$0x3FAF]  }
0x29: {  	s4 =	sld [smem:$0x3FB1]  }
0x2a: {  	p0 =	seq.s32 s5, $0x0;
	s5 =	sld [smem:$0x3FB2]  }
0x2b: {  	s6 =	sld [smem:$0x3FB3]  }
0x2c: {  	s7 =	sld [smem:$0x3FB4]  }
0x2d: {  	s3 =	simm.s32 $0x108;
	s8 =	sld [smem:$0x3FB5]  }
0x2e: {  	s3 =	simm.s32 @!p0 $0x1082;
	s9 =	sld [smem:$0x3FB6]  }
0x2f: {  	lr =	sadd.s32 s0, s3;
	s0 =	sld [smem:$0x3FAD]  }
0x30: {  	s3 =	sld [smem:$0x3FB0]  }
0x31: {  	[smem:$0x3FB9] =	sst s10  }
0x32: {  	s10 =	sld [smem:$0x3FB7];
	_ =	sdelay $0x3  }
0x33: {  	p0 =	seq.s32 s10, $0x1;
	s10 =	sld [smem:$0x3FB9];
	_ =	sdelay $0x3  }
0x34: {  	[smem:$0x3FB9] =	sst s10  }
0x35: {  	s10 =	sld [smem:$0x3FB8];
	_ =	sdelay $0x3  }
0x36: {  	p1 =	seq.s32 s10, $0x1;
	s10 =	sld [smem:$0x3FB9];
	_ =	sdelay $0x3  }
0x37: {  	[smem:$0x3FB9] =	sst s10  }
0x38: {  	s10 =	sld [smem:$0x3FBA]  }
0x39: {  	_ = 	snop;
	(pc) =	sbr.ind lr, $3  }
0x3a: {  	_ = 	snop  }
0x3b: {  	_ = 	snop  }
0x3c: {  	p2 =	seq.s32 s10, $0x1;
	s10 =	sld [smem:$0x3FB9]  }
0x3d: {  	_ =	shalt  }
0x3e: {  	_ =	shalt  }
0x3f: {  	_ =	shalt  }
0x40: {  	_ =	shalt  }
0x41: {  	_ =	shalt  }
0x42: {  	_ =	shalt  }
0x43: {  	_ =	shalt  }
0x44: {  	_ =	shalt  }
0x45: {  	_ =	shalt  }
0x46: {  	_ =	shalt  }
0x47: {  	_ =	shalt  }
0x48: {  	_ =	shalt  }
0x49: {  	_ =	shalt  }
0x4a: {  	_ =	shalt  }
0x4b: {  	_ =	shalt  }
0x4c: {  	_ =	shalt  }
0x4d: {  	_ =	shalt  }
0x4e: {  	_ =	shalt  }
0x4f: {  	_ =	shalt  }
0x50: {  	_ =	shalt  }
0x51: {  	_ =	shalt  }
0x52: {  	_ =	shalt  }
0x53: {  	_ =	shalt  }
0x54: {  	_ =	shalt  }
0x55: {  	_ =	shalt  }
0x56: {  	_ =	shalt  }
0x57: {  	_ =	shalt  }
0x58: {  	_ =	shalt  }
0x59: {  	_ =	shalt  }
0x5a: {  	_ =	shalt  }
0x5b: {  	_ =	shalt  }
0x5c: {  	_ =	shalt  }
0x5d: {  	_ =	shalt  }
0x5e: {  	_ =	shalt  }
0x5f: {  	_ =	shalt  }
0x60: {  	_ =	shalt  }
0x61: {  	_ =	shalt  }
0x62: {  	_ =	shalt  }
0x63: {  	_ =	shalt  }
0x64: {  	_ =	shalt  }
0x65: {  	_ =	shalt  }
0x66: {  	_ =	shalt  }
0x67: {  	_ =	shalt  }
0x68: {  	_ =	shalt  }
0x69: {  	_ =	shalt  }
0x6a: {  	_ =	shalt  }
0x6b: {  	_ =	shalt  }
0x6c: {  	_ =	shalt  }
0x6d: {  	_ =	shalt  }
0x6e: {  	_ =	shalt  }
0x6f: {  	_ =	shalt  }
0x70: {  	_ =	shalt  }
0x71: {  	_ =	shalt  }
0x72: {  	_ =	shalt  }
0x73: {  	_ =	shalt  }
0x74: {  	_ =	shalt  }
0x75: {  	_ =	shalt  }
0x76: {  	_ =	shalt  }
0x77: {  	_ =	shalt  }
0x78: {  	_ =	shalt  }
0x79: {  	_ =	shalt  }
0x7a: {  	_ =	shalt  }
0x7b: {  	_ =	shalt  }
0x7c: {  	_ =	shalt  }
0x7d: {  	_ =	shalt  }
0x7e: {  	_ =	shalt  }
0x7f: {  	_ =	shalt  }
0x80: {  	_ =	shalt  }
0x81: {  	_ =	shalt  }
0x82: {  	_ =	shalt  }
0x83: {  	_ =	shalt  }
0x84: {  	_ =	shalt  }
0x85: {  	_ =	shalt  }
0x86: {  	_ =	shalt  }
0x87: {  	_ =	shalt  }
.Lfunc_end0:
.L_simem_size_0:
called_computation_lowered:
.L_overlay_start_0:
0x88: {  	s2 =	sld [smem:$0x3FD9]  }
0x89: {  	s3 =	sld [smem:$0x3FFE];
	_ =	sdelay $0x1  }
0x8a: {  	s1 =	srdreg.scid  }
0x8b: {  	s0 =	sand.u32 $0x1, s1  }
0x8c: {  	s17 =	sshll.u32 s0, $0xA;
	s2 =	sadd.s32 s3, s2  }
0x8d: {  	s2 =	sadd.s32 s2, s17  }
0x8e: {  	[smem:$0x3FC5] =	sst s2  }
0x8f: {  	_ = 	snop  }
0x90: {  	s2 =	sld [smem:$0x3FC9]  }
0x91: {  	s18 =	sld [smem:$0x3FC7]  }
0x92: {  	s4 =	sld [smem:$0x3FD0];
	(tm) =	ssettm $0x1  }
0x93: {  	s5 =	sld [smem:$0x3FFB];
	_ =	sdelay $0x3  }
0x94: {  	_ =	strace s5  }
0x95: {  	s5 =	sld [smem:$0x3FFC];
	_ =	sdelay $0x3  }
0x96: {  	_ =	strace s5  }
0x97: {  	s5 =	sld [smem:$0x3FFD];
	_ =	sdelay $0x3  }
0x98: {  	_ =	strace s5  }
0x99: {  	_ =	strace $0x8FFFFFFF  }
0x9a: {  	s19 =	sld [smem:$0x3FDB];
	_ =	sdelay $0x1  }
0x9b: {  	s6 =	simm.s32 $_scs_section_size  }
0x9c: {  	s7 =	simm.s32 $_size__tile_overlayer_lowered;
	s8 =	simm.s32 $_tile_overlayer_lowered  }
0x9d: {  	s22 =	simm.s32 $0x1BFF;
	s21 =	sshll.u32 s8, $0x1;
	s5 =	sadd.s32 s6, s19  }
0x9e: {  	s9 =	simm.s32 $0x0;
	s20 =	sshll.u32 s7, $0x1;
	s7 =	sadd.s32 s21, s5  }
0x9f: {  	[timem:s9], [sflag:s22] =	dma.local [hbm:s7], s20  }
0xa0: {  	_ =	swait.ge [sflag:s22], s20  }
0xa1: {  	s6 =	ssub.s32 $0x0, s20;
	[sflag:s22] =	ssyncset.done $0x0  }
0xa2: {  	[sflag:s22] =	ssyncadd.s32 s6;
	_ =	sdelay $0x1  }
0xa3: {  	s23 =	simm.s32 $0x1B8B  }
0xa4: {  	_ =	swait.ge [sflag:s23], $0x1  }
0xa5: {  	[sflag:s23] =	ssyncset.done $0x0  }
0xa6: {  	s25 =	simm.s32 $0x1B8E;
	s24 =	sld [smem:$0x3FFE];
	[sflag:s23] =	ssyncadd.s32 $0xFFFFFFFF  }
0xa7: {  	s26 =	simm.s32 $execute0_lowered;
	[smem:$0x3FD2] =	sst s25  }
0xa8: {  	s7 =	sshll.u32 s26, $0x1;
	_ =	strace $0x80000046;
	[dreg:$0x1] =	wrdreg $0xFFFFFFFF  }
0xa9: {  	s28 =	simm.s32 $_size_execute0_lowered;
	s5 =	sadd.s32 s5, s7;
	[dreg:$0x0] =	wrdreg $0x0  }
0xaa: {  	s7 =	sshll.u32 s28, $0x1;
	[dreg:$0x2] =	wrdreg s5  }
0xab: {  	[dreg:$0x3] =	wrdreg s7  }
0xac: {  	[dreg:$0x4] =	wrdreg $0xC0  }
0xad: {  	_ =	task [dreg:s9], $0x5FFFF  }
0xae: {  	[dreg:$0x1] =	wrdreg $0xFFFFFFFF  }
0xaf: {  	[dreg:$0x0] =	wrdreg $0x60  }
0xb0: {  	[dreg:$0x2] =	wrdreg s2  }
0xb1: {  	[dreg:$0x3] =	wrdreg s4  }
0xb2: {  	[dreg:$0x4] =	wrdreg s18  }
0xb3: {  	[dreg:$0x5] =	wrdreg s24  }
0xb4: {  	[dreg:$0x6] =	wrdreg $0x9  }
0xb5: {  	_ =	task.clear_ibuf [dreg:s9], $0x7FFFF;
	_ =	strace $0x90000046  }
0xb6: {  	s29 =	simm.s32 $0x9;
	_ =	strace $0x80000048  }
0xb7: {  	_ =	swait.ge [sflag:s29], $0x1  }
0xb8: {  	[sflag:s29] =	ssyncadd.s32 $0xFFFFFFFF  }
0xb9: {  	_ =	strace $0x90000048  }
0xba: {  	_ =	sfence  }
0xbb: {  	s30 =	sld [smem:$0x0];
	_ =	sdelay $0x2  }
0xbc: {  	s31 =	sshll.u32 s1, $0xD;
	s1 =	sshrl.u32 s1, $0x2  }
0xbd: {  	s3 =	sand.u32 $0x4000, s31;
	s1 =	sadd.s32 s1, s30  }
0xbe: {  	s0 =	sor.u32 s3, s0;
	s1 =	sshll.u32 s1, $0x11  }
0xbf: {  	s0 =	sor.u32 s1, s0  }
0xc0: {  	s0 =	sadd.s32 $0x8F2B, s0  }
0xc1: {  	[sflag:s0] =	ssyncadd.remote.s32 $0x1  }
0xc2: {  	_ =	sfence.sel $0xFFFF  }
0xc3: {  	[dreg:$0x0] =	wrdreg $0xFFFFFFFF;
	(pc) =	sbr.abs _section_cstart, $3  }
0xc4: {  	[dreg:$0x1] =	wrdreg $0xFFFFFFFF  }
0xc5: {  	_ =	task.clear_ibuf [dreg:s9], $0x2FFFF;
	_ =	strace $0x9FFFFFFF  }
0xc6: {  	(tm) =	ssettm $0x7FFFFFFF  }
0xc7: {  	_ =	shalt  }
tec
execute0_lowered:
.L_overlay_start_1:
0x0: {  	(tag) =	ssettag $0x1  }
0x1: {  	s0 =	rddreg [dreg:$0x0]  }
0x2: {  	s1 =	rddreg [dreg:$0x1]  }
0x3: {  	s2 =	rddreg [dreg:$0x2]  }
0x4: {  	s3 =	rddreg [dreg:$0x3];
	s4 =	simm.s32 $0x0;
	s5 =	srdreg.scid  }
0x5: {  	s7 =	stileid.u32;
	s17 =	simm.s32 $0x400;
	s20 =	simm.s32 $0x8  }
0x6: {  	s28 =	simm.s32 $0x1;
	s19 =	simm.s32 $0x40;
	s22 =	simm.s32 $0xF400  }
0x7: {  	s29 =	simm.s32 $0x7;
	s30 =	simm.s32 $0x0;
	[smem:$0x7FF] =	sst s4  }
0x8: {  	s6 =	sand.u32 $0x1, s5;
	s7 =	sshll.u32 s7, $0x8;
	s5 =	sadd.s32 $0x400, s3  }
0x9: {  	s9 =	sadd.s32 $0x10, s2;
	s31 =	sadd.s32 $0x80, s2;
	s13 =	sadd.s32 $0x100, s2  }
0xa: {  	s14 =	sadd.s32 $0x180, s2;
	s15 =	sadd.s32 $0x200, s2;
	s16 =	sadd.s32 $0x280, s2  }
0xb: {  	_ =	strace $0x80000047;
	s8 =	sshll.u32 s6, $0x7;
	s23 =	ssub.s32 $0x2, s6  }
0xc: {  	[dreg:$0x7] =	wrdreg s31;
	s7 =	sor.u32 s8, s7;
	s24 =	sshrl.u32 s23, $0x1  }
0xd: {  	s6 =	sadd.s32 s0, s7;
	s7 =	smul.u32 $0xF000, s7;
	s25 =	ssub.s32 s23, s24  }
0xe: {  	s23 =	simm.s32 $0x4;
	s24 =	simm.s32 $0x80;
	s26 =	sadd.s32 $0x9000, s6  }
0xf: {  	s0 =	smax.u32 s25, $0x1;
	s25 =	simm.s32 $0x6;
	[dreg:$0x5] =	wrdreg s26  }
0x10: {  	s10 =	sadd.s32 $0x3C0000, s7;
	[dreg:$0x6] =	wrdreg s0;
	s26 =	simm.s32 $0x5  }
.LBB2_1:
0x11: {  	s0 =	simm.s32 $0x8000  }
0x12: {  	[tilespmem:s4], [sflag:$0x8] =	stream.strided.gather [hbm4b:s6+s17], $0x2400, s0, s17, $0x38;
	[tilespmem:$0x1B400] =	vst v63  }
0x13: {  	s11 =	rddreg [dreg:$0x5];
	s3 =	simm.s32 $0x2400  }
0x14: {  	[tilespmem:s3], [sflag:$0x8] =	stream.linear.gather [hbm4b:s11+s4], $0x280, $0x38;
	[tilespmem:$0x1B400] =	vst v63  }
0x15: {  	_ =	swait.ge [sflag:s20], $0x2680  }
0x16: {  	[sflag:s20] =	ssyncset.done $0x0  }
0x17: {  	s12 =	simm.s32 $0x2800;
	[sflag:s20] =	ssyncadd.s32 $0xFFFFD980  }
0x18: {  	[tilespmem:s12], [sflag:$0x1] =	stream.linear.gather [hbm4b:s2+s4], $0x80, $0x38;
	[tilespmem:$0x1B400] =	vst v63  }
0x19: {  	s21 =	simm.s32 $0x2A00;
	s18 =	rddreg [dreg:$0x7]  }
0x1a: {  	[tilespmem:s21], [sflag:$0x1] =	stream.linear.gather [hbm4b:s18+s4], $0x80, $0x38;
	[tilespmem:$0x1B400] =	vst v63  }
0x1b: {  	s8 =	simm.s32 $0x2C00  }
0x1c: {  	[tilespmem:s8], [sflag:$0x1] =	stream.linear.gather [hbm4b:s13+s4], $0x80, $0x38;
	[tilespmem:$0x1B400] =	vst v63  }
0x1d: {  	s11 =	simm.s32 $0x2E00  }
0x1e: {  	[tilespmem:s11], [sflag:$0x1] =	stream.linear.gather [hbm4b:s14+s4], $0x80, $0x38;
	[tilespmem:$0x1B400] =	vst v63  }
0x1f: {  	s12 =	simm.s32 $0x3000  }
0x20: {  	[tilespmem:s12], [sflag:$0x1] =	stream.linear.gather [hbm4b:s15+s4], $0x80, $0x38;
	[tilespmem:$0x1B400] =	vst v63  }
0x21: {  	s18 =	simm.s32 $0x3200  }
0x22: {  	[tilespmem:s18], [sflag:$0x1] =	stream.linear.gather [hbm4b:s16+s4], $0x80, $0x38;
	[tilespmem:$0x1B400] =	vst v63  }
0x23: {  	_ =	swait.ge [sflag:s28], $0x300  }
0x24: {  	[sflag:s28] =	ssyncset.done $0x0  }
0x25: {  	s21 =	simm.s32 $0x2880;
	[sflag:s28] =	ssyncadd.s32 $0xFFFFFD00  }
0x26: {  	[tilespmem:s21], [sflag:$0x2] =	stream.linear.gather [hbm4b:s9+s4], $0x80, $0x38;
	[tilespmem:$0x1B400] =	vst v63  }
0x27: {  	s3 =	sadd.s32 $0x80, s9;
	s8 =	simm.s32 $0x2A80  }
0x28: {  	[tilespmem:s8], [sflag:$0x2] =	stream.linear.gather [hbm4b:s3+s4], $0x80, $0x38;
	[tilespmem:$0x1B400] =	vst v63  }
0x29: {  	s11 =	sadd.s32 $0x100, s9;
	s12 =	simm.s32 $0x2C80  }
0x2a: {  	[tilespmem:s12], [sflag:$0x2] =	stream.linear.gather [hbm4b:s11+s4], $0x80, $0x38;
	[tilespmem:$0x1B400] =	vst v63  }
0x2b: {  	s18 =	sadd.s32 $0x180, s9;
	s21 =	simm.s32 $0x2E80  }
0x2c: {  	[tilespmem:s21], [sflag:$0x2] =	stream.linear.gather [hbm4b:s18+s4], $0x80, $0x38;
	[tilespmem:$0x1B400] =	vst v63  }
0x2d: {  	s8 =	sadd.s32 $0x200, s9;
	s11 =	simm.s32 $0x3080  }
0x2e: {  	[tilespmem:s11], [sflag:$0x2] =	stream.linear.gather [hbm4b:s8+s4], $0x80, $0x38;
	[tilespmem:$0x1B400] =	vst v63  }
0x2f: {  	s12 =	sadd.s32 $0x280, s9;
	s18 =	simm.s32 $0x3280  }
0x30: {  	[tilespmem:s18], [sflag:$0x2] =	stream.linear.gather [hbm4b:s12+s4], $0x80, $0x38;
	[tilespmem:$0x1B400] =	vst v63  }
0x31: {  	s31 =	simm.s32 $0x0;
	s21 =	simm.s32 $0x3400  }
0x32: {  	[tilespmem:s21], [sflag:$0x4] =	stream.indirect.gather [hbm4b:s1+s19], $0x300, s4, s19, $0xb8;
	[tilespmem:$0x1B400] =	vst v63  }
.LBB2_2:
0x33: {  	p1 =	seq.s32 s31, $0x0  }
0x34: {  	s0 =	smul.u32 @!p1 $0xAB, s31;
	p0 =	sgt.u32 @!p1 s31, $0x4A  }
0x35: {  	p0 =	por p1, !p0  }
0x36: {  	s0 =	sshrl.u32 @!p1 s0, $0x9;
	s3 =	sadd.s32 @p0 $0x2, s31  }
0x37: {  	s0 =	sand.u32 @!p1 $0x7F, s0;
	s8 =	smul.u32 @p0 $0xAB, s3  }
0x38: {  	s0 =	smul.u32 @!p1 $0x3, s0;
	_ =	sdelay $0x1  }
0x39: {  	s8 =	sshrl.u32 @p0 s8, $0x9;
	s0 =	ssub.s32 @!p1 s31, s0  }
0x3a: {  	s8 =	sand.u32 @p0 $0x7F, s8;
	s0 =	sand.u32 @!p1 $0xFF, s0  }
0x3b: {  	s11 =	sshrl.u32 @p0 s3, $0x3;
	s8 =	smul.u32 @p0 $0x3, s8;
	s0 =	sadd.s32 @!p1 $0x1, s0  }
0x3c: {  	s18 =	sshll.u32 @p0 s3, $0x7;
	s11 =	smul.u32 @p0 $0x1800, s11;
	_ =	swait.ge @!p1 [sflag:s0], $0x300  }
0x3d: {  	s3 =	ssub.s32 @p0 s3, s8;
	s8 =	sand.u32 @p0 $0x380, s18;
	[sflag:s0] =	ssyncset.done @!p1 $0x0  }
0x3e: {  	[sflag:s0] =	ssyncadd.s32 @!p1 $0xFFFFFD00;
	s0 =	sand.u32 @p0 $0xFF, s3;
	s3 =	sor.u32 @p0 s8, s11  }
0x3f: {  	s8 =	sadd.s32 @p0 $0x1, s0;
	s3 =	sshrl.u32 @p0 s3, $0x3;
	s0 =	sshll.u32 @p0 s0, $0x7  }
0x40: {  	s18 =	simm.s32 @p0 $0x0;
	s3 =	sadd.s32 @p0 s2, s3;
	s11 =	sor.u32 @p0 $0x2800, s0  }
0x41: {  	[tilespmem:s11], [sflag:s8] =	stream.linear.gather @p0 [hbm4b:s3+s18], $0x80, $0x38;
	[tilespmem:$0x1B400] =	vst v63  }
0x42: {  	s21 =	sor.u32 @p0 $0x2A00, s0;
	s11 =	sadd.s32 @p0 $0x80, s3  }
0x43: {  	[tilespmem:s21], [sflag:s8] =	stream.linear.gather @p0 [hbm4b:s11+s18], $0x80, $0x38;
	[tilespmem:$0x1B400] =	vst v63  }
0x44: {  	s11 =	sadd.s32 @p0 $0x100, s3;
	s21 =	sor.u32 @p0 $0x2C00, s0  }
0x45: {  	[tilespmem:s21], [sflag:s8] =	stream.linear.gather @p0 [hbm4b:s11+s18], $0x80, $0x38;
	[tilespmem:$0x1B400] =	vst v63  }
0x46: {  	s11 =	sadd.s32 @p0 $0x180, s3;
	s21 =	sor.u32 @p0 $0x2E00, s0  }
0x47: {  	[tilespmem:s21], [sflag:s8] =	stream.linear.gather @p0 [hbm4b:s11+s18], $0x80, $0x38;
	[tilespmem:$0x1B400] =	vst v63  }
0x48: {  	s11 =	sadd.s32 @p0 $0x200, s3;
	s21 =	sor.u32 @p0 $0x3000, s0  }
0x49: {  	[tilespmem:s21], [sflag:s8] =	stream.linear.gather @p0 [hbm4b:s11+s18], $0x80, $0x38;
	[tilespmem:$0x1B400] =	vst v63  }
0x4a: {  	p1 =	seq.s32 @p0 s31, $0x0;
	s3 =	sadd.s32 @p0 $0x280, s3;
	s0 =	sor.u32 @p0 $0x3200, s0  }
0x4b: {  	[tilespmem:s0], [sflag:s8] =	stream.linear.gather @p0 [hbm4b:s3+s18], $0x80, $0x38;
	[tilespmem:$0x1B400] =	vst v63  }
0x4c: {  	s12 =	smulhi.u32 $0xAAAAAAAB, s31;
	p0 =	por !p0, !p1  }
0x4d: {  	s21 =	sshll.u32 s31, $0x7;
	_ =	swait.ge @p0 [sflag:s29], $0xC000  }
0x4e: {  	s3 =	sand.u32 $0x3FFFFF80, s21;
	s0 =	sshrl.u32 s12, $0x1;
	[sflag:s29] =	ssyncset.done @p0 $0x0  }
0x4f: {  	s18 =	sor.u32 $0x40, s3;
	s0 =	smul.u32 $0x3, s0;
	[sflag:s29] =	ssyncadd.s32 @p0 $0xFFFF4000  }
0x50: {  	[tilespmem:s22], [sflag:$0x5] =	stream.indirect.gather [hbm4b:s1+s19], $0x300, s18, s19, $0xb8;
	[tilespmem:$0x1B400] =	vst v63  }
0x51: {  	s0 =	ssub.s32 s31, s0;
	_ =	swait.ge [sflag:s23], $0xC000  }
0x52: {  	s0 =	sshll.u32 s0, $0x7;
	[sflag:s23] =	ssyncset.done $0x0  }
0x53: {  	s11 =	sor.u32 $0x2800, s0;
	[sflag:s23] =	ssyncadd.s32 $0xFFFF4000  }
0x54: {  	s12 =	sor.u32 $0x2810, s0;
	v0 =	vld [tilespmem:s11+$0x0]  }
0x55: {  	s18 =	sor.u32 $0x2820, s0;
	v1 =	vld [tilespmem:s12+$0x0]  }
0x56: {  	v2 =	vld [tilespmem:s18+$0x0];
	s11 =	sor.u32 $0x2830, s0  }
0x57: {  	s12 =	sor.u32 $0x2840, s0;
	v3 =	vld [tilespmem:s11+$0x0]  }
0x58: {  	s18 =	sor.u32 $0x2850, s0;
	v4 =	vld [tilespmem:s12+$0x0]  }
0x59: {  	v5 =	vld [tilespmem:s18+$0x0];
	s11 =	sor.u32 $0x2860, s0  }
0x5a: {  	s12 =	sor.u32 $0x2870, s0;
	v6 =	vld [tilespmem:s11+$0x0]  }
0x5b: {  	s18 =	sor.u32 $0x2A00, s0;
	v7 =	vld [tilespmem:s12+$0x0]  }
0x5c: {  	v8 =	vld [tilespmem:s18+$0x0];
	s11 =	sor.u32 $0x2A10, s0  }
0x5d: {  	s12 =	sor.u32 $0x2A20, s0;
	v9 =	vld [tilespmem:s11+$0x0]  }
0x5e: {  	s18 =	sor.u32 $0x2A30, s0;
	v10 =	vld [tilespmem:s12+$0x0]  }
0x5f: {  	v11 =	vld [tilespmem:s18+$0x0];
	s11 =	sor.u32 $0x2A40, s0  }
0x60: {  	s12 =	sor.u32 $0x2A50, s0;
	v12 =	vld [tilespmem:s11+$0x0]  }
0x61: {  	s18 =	sor.u32 $0x2A60, s0;
	v13 =	vld [tilespmem:s12+$0x0]  }
0x62: {  	v14 =	vld [tilespmem:s18+$0x0];
	s11 =	sor.u32 $0x2A70, s0  }
0x63: {  	s12 =	sor.u32 $0x2C00, s0;
	v15 =	vld [tilespmem:s11+$0x0]  }
0x64: {  	s18 =	sor.u32 $0x2C10, s0;
	v16 =	vld [tilespmem:s12+$0x0]  }
0x65: {  	v17 =	vld [tilespmem:s18+$0x0];
	s18 =	sor.u32 $0x2C40, s0  }
0x66: {  	v20 =	vld [tilespmem:s18+$0x0];
	s18 =	sor.u32 $0x2C70, s0  }
0x67: {  	s11 =	sor.u32 $0x2C20, s0;
	v23 =	vld [tilespmem:s18+$0x0]  }
0x68: {  	s12 =	sor.u32 $0x2C30, s0;
	v18 =	vld [tilespmem:s11+$0x0]  }
0x69: {  	v19 =	vld [tilespmem:s12+$0x0];
	s11 =	sor.u32 $0x2C50, s0  }
0x6a: {  	s12 =	sor.u32 $0x2C60, s0;
	v21 =	vld [tilespmem:s11+$0x0]  }
0x6b: {  	s8 =	simm.s32 $0x0;
	v22 =	vld [tilespmem:s12+$0x0];
	s18 =	simm.s32 $0xC00  }
.LBB2_3:
0x6c: {  	p0 =	sne.s32 s18, $0x2F400;
	[tilespmem:s8+$0x3570] =	vst.add.f32.msk $0xffff, v23  }
0x6d: {  	[tilespmem:s8+$0x3400] =	vst.add.f32.msk $0xffff, v0  }
0x6e: {  	[tilespmem:s8+$0x3410] =	vst.add.f32.msk $0xffff, v1  }
0x6f: {  	[tilespmem:s8+$0x3420] =	vst.add.f32.msk $0xffff, v2  }
0x70: {  	[tilespmem:s8+$0x3430] =	vst.add.f32.msk $0xffff, v3  }
0x71: {  	[tilespmem:s8+$0x3440] =	vst.add.f32.msk $0xffff, v4  }
0x72: {  	[tilespmem:s8+$0x3450] =	vst.add.f32.msk $0xffff, v5  }
0x73: {  	[tilespmem:s8+$0x3460] =	vst.add.f32.msk $0xffff, v6  }
0x74: {  	[tilespmem:s8+$0x3470] =	vst.add.f32.msk $0xffff, v7  }
0x75: {  	[tilespmem:s8+$0x3480] =	vst.add.f32.msk $0xffff, v8  }
0x76: {  	[tilespmem:s8+$0x3490] =	vst.add.f32.msk $0xffff, v9  }
0x77: {  	[tilespmem:s8+$0x34A0] =	vst.add.f32.msk $0xffff, v10  }
0x78: {  	[tilespmem:s8+$0x34B0] =	vst.add.f32.msk $0xffff, v11  }
0x79: {  	[tilespmem:s8+$0x34C0] =	vst.add.f32.msk $0xffff, v12  }
0x7a: {  	[tilespmem:s8+$0x34D0] =	vst.add.f32.msk $0xffff, v13  }
0x7b: {  	[tilespmem:s8+$0x34E0] =	vst.add.f32.msk $0xffff, v14  }
0x7c: {  	[tilespmem:s8+$0x34F0] =	vst.add.f32.msk $0xffff, v15  }
0x7d: {  	[tilespmem:s8+$0x3500] =	vst.add.f32.msk $0xffff, v16  }
0x7e: {  	[tilespmem:s8+$0x3510] =	vst.add.f32.msk $0xffff, v17  }
.Ltmp0:
0x7f: {  	[tilespmem:s8+$0x3520] =	vst.add.f32.msk $0xffff, v18;
	(pc) =	sbr.rel @p0 .LBB2_3-.Ltmp0, $4  }
0x80: {  	[tilespmem:s8+$0x3530] =	vst.add.f32.msk $0xffff, v19  }
0x81: {  	[tilespmem:s8+$0x3540] =	vst.add.f32.msk $0xffff, v20  }
0x82: {  	[tilespmem:s8+$0x3550] =	vst.add.f32.msk $0xffff, v21  }
0x83: {  	[tilespmem:s8+$0x3560] =	vst.add.f32.msk $0xffff, v22;
	s8 =	sshra.s32 s18, $0x2;
	s18 =	sadd.s32 $0xC00, s18  }
0x84: {  	[tilespmem:s8+$0x3570] =	vst.add.f32.msk $0xffff, v23  }
0x85: {  	[tilespmem:s8+$0x3400] =	vst.add.f32.msk $0xffff, v0  }
0x86: {  	[tilespmem:s8+$0x3410] =	vst.add.f32.msk $0xffff, v1  }
0x87: {  	[tilespmem:s8+$0x3420] =	vst.add.f32.msk $0xffff, v2  }
0x88: {  	[tilespmem:s8+$0x3430] =	vst.add.f32.msk $0xffff, v3  }
0x89: {  	[tilespmem:s8+$0x3440] =	vst.add.f32.msk $0xffff, v4  }
0x8a: {  	[tilespmem:s8+$0x3450] =	vst.add.f32.msk $0xffff, v5  }
0x8b: {  	[tilespmem:s8+$0x3460] =	vst.add.f32.msk $0xffff, v6  }
0x8c: {  	[tilespmem:s8+$0x3470] =	vst.add.f32.msk $0xffff, v7  }
0x8d: {  	[tilespmem:s8+$0x3480] =	vst.add.f32.msk $0xffff, v8  }
0x8e: {  	[tilespmem:s8+$0x3490] =	vst.add.f32.msk $0xffff, v9  }
0x8f: {  	[tilespmem:s8+$0x34A0] =	vst.add.f32.msk $0xffff, v10  }
0x90: {  	[tilespmem:s8+$0x34B0] =	vst.add.f32.msk $0xffff, v11  }
0x91: {  	[tilespmem:s8+$0x34C0] =	vst.add.f32.msk $0xffff, v12  }
0x92: {  	[tilespmem:s8+$0x34D0] =	vst.add.f32.msk $0xffff, v13  }
0x93: {  	[tilespmem:s8+$0x34E0] =	vst.add.f32.msk $0xffff, v14  }
0x94: {  	[tilespmem:s8+$0x34F0] =	vst.add.f32.msk $0xffff, v15  }
0x95: {  	[tilespmem:s8+$0x3500] =	vst.add.f32.msk $0xffff, v16  }
0x96: {  	[tilespmem:s8+$0x3510] =	vst.add.f32.msk $0xffff, v17  }
0x97: {  	[tilespmem:s8+$0x3520] =	vst.add.f32.msk $0xffff, v18  }
0x98: {  	[tilespmem:s8+$0x3530] =	vst.add.f32.msk $0xffff, v19  }
0x99: {  	[tilespmem:s8+$0x3540] =	vst.add.f32.msk $0xffff, v20  }
0x9a: {  	[tilespmem:s8+$0x3550] =	vst.add.f32.msk $0xffff, v21  }
0x9b: {  	[tilespmem:s8+$0x3560] =	vst.add.f32.msk $0xffff, v22  }
0x9c: {  	v6 =	vld [tilespmem:s0+$0x2E00]  }
0x9d: {  	v7 =	vld [tilespmem:s0+$0x2E10]  }
0x9e: {  	v8 =	vld [tilespmem:s0+$0x2E20]  }
0x9f: {  	v9 =	vld [tilespmem:s0+$0x2E30]  }
0xa0: {  	v10 =	vld [tilespmem:s0+$0x2E40]  }
0xa1: {  	v11 =	vld [tilespmem:s0+$0x2E50]  }
0xa2: {  	v12 =	vld [tilespmem:s0+$0x2E60]  }
0xa3: {  	v13 =	vld [tilespmem:s0+$0x2E70]  }
0xa4: {  	v14 =	vld [tilespmem:s0+$0x3000]  }
0xa5: {  	v15 =	vld [tilespmem:s0+$0x3010]  }
0xa6: {  	v16 =	vld [tilespmem:s0+$0x3020]  }
0xa7: {  	v17 =	vld [tilespmem:s0+$0x3030]  }
0xa8: {  	v18 =	vld [tilespmem:s0+$0x3040]  }
0xa9: {  	v19 =	vld [tilespmem:s0+$0x3050]  }
0xaa: {  	v20 =	vld [tilespmem:s0+$0x3060]  }
0xab: {  	v21 =	vld [tilespmem:s0+$0x3070]  }
0xac: {  	v22 =	vld [tilespmem:s0+$0x3200]  }
0xad: {  	v5 =	vld [tilespmem:s0+$0x3210]  }
0xae: {  	v4 =	vld [tilespmem:s0+$0x3220]  }
0xaf: {  	v23 =	vld [tilespmem:s0+$0x3270]  }
0xb0: {  	v3 =	vld [tilespmem:s0+$0x3230]  }
0xb1: {  	v2 =	vld [tilespmem:s0+$0x3240]  }
0xb2: {  	v1 =	vld [tilespmem:s0+$0x3250]  }
0xb3: {  	s8 =	simm.s32 $0x0;
	s18 =	simm.s32 $0xC00;
	v0 =	vld [tilespmem:s0+$0x3260]  }
.LBB2_5:
0xb4: {  	p0 =	sne.s32 s18, $0x2F400;
	[tilespmem:s8+$0x36F0] =	vst.add.f32.msk $0xffff, v23  }
0xb5: {  	[tilespmem:s8+$0x3580] =	vst.add.f32.msk $0xffff, v6  }
0xb6: {  	[tilespmem:s8+$0x3590] =	vst.add.f32.msk $0xffff, v7  }
0xb7: {  	[tilespmem:s8+$0x35A0] =	vst.add.f32.msk $0xffff, v8  }
0xb8: {  	[tilespmem:s8+$0x35B0] =	vst.add.f32.msk $0xffff, v9  }
0xb9: {  	[tilespmem:s8+$0x35C0] =	vst.add.f32.msk $0xffff, v10  }
0xba: {  	[tilespmem:s8+$0x35D0] =	vst.add.f32.msk $0xffff, v11  }
0xbb: {  	[tilespmem:s8+$0x35E0] =	vst.add.f32.msk $0xffff, v12  }
0xbc: {  	[tilespmem:s8+$0x35F0] =	vst.add.f32.msk $0xffff, v13  }
0xbd: {  	[tilespmem:s8+$0x3600] =	vst.add.f32.msk $0xffff, v14  }
0xbe: {  	[tilespmem:s8+$0x3610] =	vst.add.f32.msk $0xffff, v15  }
0xbf: {  	[tilespmem:s8+$0x3620] =	vst.add.f32.msk $0xffff, v16  }
0xc0: {  	[tilespmem:s8+$0x3630] =	vst.add.f32.msk $0xffff, v17  }
0xc1: {  	[tilespmem:s8+$0x3640] =	vst.add.f32.msk $0xffff, v18  }
0xc2: {  	[tilespmem:s8+$0x3650] =	vst.add.f32.msk $0xffff, v19  }
0xc3: {  	[tilespmem:s8+$0x3660] =	vst.add.f32.msk $0xffff, v20  }
0xc4: {  	[tilespmem:s8+$0x3670] =	vst.add.f32.msk $0xffff, v21  }
0xc5: {  	[tilespmem:s8+$0x3680] =	vst.add.f32.msk $0xffff, v22  }
0xc6: {  	[tilespmem:s8+$0x3690] =	vst.add.f32.msk $0xffff, v5  }
.Ltmp1:
0xc7: {  	[tilespmem:s8+$0x36A0] =	vst.add.f32.msk $0xffff, v4;
	(pc) =	sbr.rel @p0 .LBB2_5-.Ltmp1, $4  }
0xc8: {  	[tilespmem:s8+$0x36B0] =	vst.add.f32.msk $0xffff, v3  }
0xc9: {  	[tilespmem:s8+$0x36C0] =	vst.add.f32.msk $0xffff, v2  }
0xca: {  	[tilespmem:s8+$0x36D0] =	vst.add.f32.msk $0xffff, v1  }
0xcb: {  	[tilespmem:s8+$0x36E0] =	vst.add.f32.msk $0xffff, v0;
	s8 =	sshra.s32 s18, $0x2;
	s18 =	sadd.s32 $0xC00, s18  }
0xcc: {  	[tilespmem:s8+$0x36F0] =	vst.add.f32.msk $0xffff, v23  }
0xcd: {  	[tilespmem:s8+$0x3580] =	vst.add.f32.msk $0xffff, v6  }
0xce: {  	[tilespmem:s8+$0x3590] =	vst.add.f32.msk $0xffff, v7  }
0xcf: {  	[tilespmem:s8+$0x35A0] =	vst.add.f32.msk $0xffff, v8  }
0xd0: {  	[tilespmem:s8+$0x35B0] =	vst.add.f32.msk $0xffff, v9  }
0xd1: {  	[tilespmem:s8+$0x35C0] =	vst.add.f32.msk $0xffff, v10  }
0xd2: {  	[tilespmem:s8+$0x35D0] =	vst.add.f32.msk $0xffff, v11  }
0xd3: {  	[tilespmem:s8+$0x35E0] =	vst.add.f32.msk $0xffff, v12  }
0xd4: {  	[tilespmem:s8+$0x35F0] =	vst.add.f32.msk $0xffff, v13  }
0xd5: {  	[tilespmem:s8+$0x3600] =	vst.add.f32.msk $0xffff, v14  }
0xd6: {  	[tilespmem:s8+$0x3610] =	vst.add.f32.msk $0xffff, v15  }
0xd7: {  	[tilespmem:s8+$0x3620] =	vst.add.f32.msk $0xffff, v16  }
0xd8: {  	[tilespmem:s8+$0x3630] =	vst.add.f32.msk $0xffff, v17  }
0xd9: {  	[tilespmem:s8+$0x3640] =	vst.add.f32.msk $0xffff, v18  }
0xda: {  	[tilespmem:s8+$0x3650] =	vst.add.f32.msk $0xffff, v19  }
0xdb: {  	[tilespmem:s8+$0x3660] =	vst.add.f32.msk $0xffff, v20  }
0xdc: {  	[tilespmem:s8+$0x3670] =	vst.add.f32.msk $0xffff, v21  }
0xdd: {  	[tilespmem:s8+$0x3680] =	vst.add.f32.msk $0xffff, v22;
	s11 =	sshrl.u32 s31, $0x3  }
0xde: {  	[tilespmem:s8+$0x3690] =	vst.add.f32.msk $0xffff, v5;
	s18 =	smul.u32 $0x1800, s11  }
0xdf: {  	[tilespmem:s8+$0x36A0] =	vst.add.f32.msk $0xffff, v4;
	s21 =	sand.u32 $0x380, s21  }
0xe0: {  	[tilespmem:s8+$0x36B0] =	vst.add.f32.msk $0xffff, v3;
	s11 =	sor.u32 s18, s21  }
0xe1: {  	[tilespmem:s8+$0x36C0] =	vst.add.f32.msk $0xffff, v2;
	s11 =	sor.u32 s7, s11  }
0xe2: {  	[tilespmem:s8+$0x36D0] =	vst.add.f32.msk $0xffff, v1;
	s11 =	sshrl.u32 s11, $0x3  }
0xe3: {  	[tilespmem:s8+$0x36E0] =	vst.add.f32.msk $0xffff, v0;
	s12 =	simm.s32 $0x3400;
	s8 =	sadd.s32 s5, s11;
	s11 =	simm.s32 $0xC00  }
0xe4: {  	[hbm4b:s8+s24] =	stream.strided.scatter [tilespmem:s12], [sflag:$0x6], $0x300, s17, s24, $0x38;
	[tilespmem:$0x1B400] =	vst v63  }
.LBB2_7:
0xe5: {  	p0 =	sne.s32 s11, $0x2F400  }
.Ltmp2:
0xe6: {  	_ = 	snop;
	(pc) =	sbr.rel @p0 .LBB2_7-.Ltmp2, $4  }
0xe7: {  	_ = 	snop  }
0xe8: {  	s12 =	sshra.s32 s11, $0x2;
	s11 =	sadd.s32 $0xC00, s11  }
0xe9: {  	s8 =	sadd.s32 $0x1E00, s8;
	s12 =	sadd.s32 $0x3400, s12  }
0xea: {  	[hbm4b:s8+s24] =	stream.strided.scatter [tilespmem:s12], [sflag:$0x6], $0x300, s17, s24, $0x38;
	[tilespmem:$0x1B400] =	vst v63  }
0xeb: {  	_ =	swait.ge [sflag:s25], $0xC000;
	p0 =	seq.s32 s31, $0x4C  }
0xec: {  	[sflag:s25] =	ssyncset.done $0x0;
	s3 =	sadd.s32 @!p0 $0x80, s3  }
0xed: {  	s8 =	simm.s32 @!p0 $0x40;
	s11 =	simm.s32 @!p0 $0x3400;
	[sflag:s25] =	ssyncadd.s32 $0xFFFF4000  }
0xee: {  	[tilespmem:s11], [sflag:$0x4] =	stream.indirect.gather @!p0 [hbm4b:s1+s8], $0x300, s3, s8, $0xb8;
	[tilespmem:$0x1B400] =	vst v63  }
0xef: {  	_ =	swait.ge [sflag:s26], $0xC000  }
0xf0: {  	[sflag:s26] =	ssyncset.done $0x0  }
0xf1: {  	[sflag:s26] =	ssyncadd.s32 $0xFFFF4000  }
0xf2: {  	v0 =	vld [tilespmem:s0+$0x2800]  }
0xf3: {  	v1 =	vld [tilespmem:s0+$0x2810]  }
0xf4: {  	v2 =	vld [tilespmem:s0+$0x2820]  }
0xf5: {  	v3 =	vld [tilespmem:s0+$0x2830]  }
0xf6: {  	v4 =	vld [tilespmem:s0+$0x2840]  }
0xf7: {  	v5 =	vld [tilespmem:s0+$0x2850]  }
0xf8: {  	v6 =	vld [tilespmem:s0+$0x2860]  }
0xf9: {  	v7 =	vld [tilespmem:s0+$0x2870]  }
0xfa: {  	v8 =	vld [tilespmem:s0+$0x2A00]  }
0xfb: {  	v9 =	vld [tilespmem:s0+$0x2A10]  }
0xfc: {  	v10 =	vld [tilespmem:s0+$0x2A20]  }
0xfd: {  	v11 =	vld [tilespmem:s0+$0x2A30]  }
0xfe: {  	v12 =	vld [tilespmem:s0+$0x2A40]  }
0xff: {  	v13 =	vld [tilespmem:s0+$0x2A50]  }
0x100: {  	v14 =	vld [tilespmem:s0+$0x2A60]  }
0x101: {  	v15 =	vld [tilespmem:s0+$0x2A70]  }
0x102: {  	v16 =	vld [tilespmem:s0+$0x2C00]  }
0x103: {  	v17 =	vld [tilespmem:s0+$0x2C10]  }
0x104: {  	v18 =	vld [tilespmem:s0+$0x2C20]  }
0x105: {  	v23 =	vld [tilespmem:s0+$0x2C70]  }
0x106: {  	v19 =	vld [tilespmem:s0+$0x2C30]  }
0x107: {  	v20 =	vld [tilespmem:s0+$0x2C40]  }
0x108: {  	v21 =	vld [tilespmem:s0+$0x2C50]  }
0x109: {  	s3 =	simm.s32 $0x0;
	s8 =	simm.s32 $0xC00;
	v22 =	vld [tilespmem:s0+$0x2C60]  }
.LBB2_9:
0x10a: {  	p0 =	sne.s32 s8, $0x2F400;
	[tilespmem:s3+$0xF570] =	vst.add.f32.msk $0xffff, v23  }
0x10b: {  	[tilespmem:s3+$0xF400] =	vst.add.f32.msk $0xffff, v0  }
0x10c: {  	[tilespmem:s3+$0xF410] =	vst.add.f32.msk $0xffff, v1  }
0x10d: {  	[tilespmem:s3+$0xF420] =	vst.add.f32.msk $0xffff, v2  }
0x10e: {  	[tilespmem:s3+$0xF430] =	vst.add.f32.msk $0xffff, v3  }
0x10f: {  	[tilespmem:s3+$0xF440] =	vst.add.f32.msk $0xffff, v4  }
0x110: {  	[tilespmem:s3+$0xF450] =	vst.add.f32.msk $0xffff, v5  }
0x111: {  	[tilespmem:s3+$0xF460] =	vst.add.f32.msk $0xffff, v6  }
0x112: {  	[tilespmem:s3+$0xF470] =	vst.add.f32.msk $0xffff, v7  }
0x113: {  	[tilespmem:s3+$0xF480] =	vst.add.f32.msk $0xffff, v8  }
0x114: {  	[tilespmem:s3+$0xF490] =	vst.add.f32.msk $0xffff, v9  }
0x115: {  	[tilespmem:s3+$0xF4A0] =	vst.add.f32.msk $0xffff, v10  }
0x116: {  	[tilespmem:s3+$0xF4B0] =	vst.add.f32.msk $0xffff, v11  }
0x117: {  	[tilespmem:s3+$0xF4C0] =	vst.add.f32.msk $0xffff, v12  }
0x118: {  	[tilespmem:s3+$0xF4D0] =	vst.add.f32.msk $0xffff, v13  }
0x119: {  	[tilespmem:s3+$0xF4E0] =	vst.add.f32.msk $0xffff, v14  }
0x11a: {  	[tilespmem:s3+$0xF4F0] =	vst.add.f32.msk $0xffff, v15  }
0x11b: {  	[tilespmem:s3+$0xF500] =	vst.add.f32.msk $0xffff, v16  }
0x11c: {  	[tilespmem:s3+$0xF510] =	vst.add.f32.msk $0xffff, v17  }
.Ltmp3:
0x11d: {  	[tilespmem:s3+$0xF520] =	vst.add.f32.msk $0xffff, v18;
	(pc) =	sbr.rel @p0 .LBB2_9-.Ltmp3, $4  }
0x11e: {  	[tilespmem:s3+$0xF530] =	vst.add.f32.msk $0xffff, v19  }
0x11f: {  	[tilespmem:s3+$0xF540] =	vst.add.f32.msk $0xffff, v20  }
0x120: {  	[tilespmem:s3+$0xF550] =	vst.add.f32.msk $0xffff, v21  }
0x121: {  	[tilespmem:s3+$0xF560] =	vst.add.f32.msk $0xffff, v22;
	s3 =	sshra.s32 s8, $0x2;
	s8 =	sadd.s32 $0xC00, s8  }
0x122: {  	[tilespmem:s3+$0xF570] =	vst.add.f32.msk $0xffff, v23  }
0x123: {  	[tilespmem:s3+$0xF400] =	vst.add.f32.msk $0xffff, v0  }
0x124: {  	[tilespmem:s3+$0xF410] =	vst.add.f32.msk $0xffff, v1  }
0x125: {  	[tilespmem:s3+$0xF420] =	vst.add.f32.msk $0xffff, v2  }
0x126: {  	[tilespmem:s3+$0xF430] =	vst.add.f32.msk $0xffff, v3  }
0x127: {  	[tilespmem:s3+$0xF440] =	vst.add.f32.msk $0xffff, v4  }
0x128: {  	[tilespmem:s3+$0xF450] =	vst.add.f32.msk $0xffff, v5  }
0x129: {  	[tilespmem:s3+$0xF460] =	vst.add.f32.msk $0xffff, v6  }
0x12a: {  	[tilespmem:s3+$0xF470] =	vst.add.f32.msk $0xffff, v7  }
0x12b: {  	[tilespmem:s3+$0xF480] =	vst.add.f32.msk $0xffff, v8  }
0x12c: {  	[tilespmem:s3+$0xF490] =	vst.add.f32.msk $0xffff, v9  }
0x12d: {  	[tilespmem:s3+$0xF4A0] =	vst.add.f32.msk $0xffff, v10  }
0x12e: {  	[tilespmem:s3+$0xF4B0] =	vst.add.f32.msk $0xffff, v11  }
0x12f: {  	[tilespmem:s3+$0xF4C0] =	vst.add.f32.msk $0xffff, v12  }
0x130: {  	[tilespmem:s3+$0xF4D0] =	vst.add.f32.msk $0xffff, v13  }
0x131: {  	[tilespmem:s3+$0xF4E0] =	vst.add.f32.msk $0xffff, v14  }
0x132: {  	[tilespmem:s3+$0xF4F0] =	vst.add.f32.msk $0xffff, v15  }
0x133: {  	[tilespmem:s3+$0xF500] =	vst.add.f32.msk $0xffff, v16  }
0x134: {  	[tilespmem:s3+$0xF510] =	vst.add.f32.msk $0xffff, v17  }
0x135: {  	[tilespmem:s3+$0xF520] =	vst.add.f32.msk $0xffff, v18  }
0x136: {  	[tilespmem:s3+$0xF530] =	vst.add.f32.msk $0xffff, v19  }
0x137: {  	[tilespmem:s3+$0xF540] =	vst.add.f32.msk $0xffff, v20  }
0x138: {  	[tilespmem:s3+$0xF550] =	vst.add.f32.msk $0xffff, v21  }
0x139: {  	[tilespmem:s3+$0xF560] =	vst.add.f32.msk $0xffff, v22  }
0x13a: {  	v3 =	vld [tilespmem:s0+$0x2E00]  }
0x13b: {  	v4 =	vld [tilespmem:s0+$0x2E10]  }
0x13c: {  	v5 =	vld [tilespmem:s0+$0x2E20]  }
0x13d: {  	v6 =	vld [tilespmem:s0+$0x2E30]  }
0x13e: {  	v7 =	vld [tilespmem:s0+$0x2E40]  }
0x13f: {  	v8 =	vld [tilespmem:s0+$0x2E50]  }
0x140: {  	v9 =	vld [tilespmem:s0+$0x2E60]  }
0x141: {  	v10 =	vld [tilespmem:s0+$0x2E70]  }
0x142: {  	v11 =	vld [tilespmem:s0+$0x3000]  }
0x143: {  	v12 =	vld [tilespmem:s0+$0x3010]  }
0x144: {  	v13 =	vld [tilespmem:s0+$0x3020]  }
0x145: {  	v14 =	vld [tilespmem:s0+$0x3030]  }
0x146: {  	v15 =	vld [tilespmem:s0+$0x3040]  }
0x147: {  	v16 =	vld [tilespmem:s0+$0x3050]  }
0x148: {  	v17 =	vld [tilespmem:s0+$0x3060]  }
0x149: {  	v18 =	vld [tilespmem:s0+$0x3070]  }
0x14a: {  	v19 =	vld [tilespmem:s0+$0x3200]  }
0x14b: {  	v20 =	vld [tilespmem:s0+$0x3210]  }
0x14c: {  	v21 =	vld [tilespmem:s0+$0x3220]  }
0x14d: {  	v23 =	vld [tilespmem:s0+$0x3270]  }
0x14e: {  	v22 =	vld [tilespmem:s0+$0x3230]  }
0x14f: {  	v2 =	vld [tilespmem:s0+$0x3240]  }
0x150: {  	v1 =	vld [tilespmem:s0+$0x3250]  }
0x151: {  	s3 =	simm.s32 $0xC00;
	v0 =	vld [tilespmem:s0+$0x3260];
	s0 =	simm.s32 $0x0  }
.LBB2_11:
0x152: {  	p0 =	sne.s32 s3, $0x2F400;
	[tilespmem:s0+$0xF6F0] =	vst.add.f32.msk $0xffff, v23  }
0x153: {  	[tilespmem:s0+$0xF580] =	vst.add.f32.msk $0xffff, v3  }
0x154: {  	[tilespmem:s0+$0xF590] =	vst.add.f32.msk $0xffff, v4  }
0x155: {  	[tilespmem:s0+$0xF5A0] =	vst.add.f32.msk $0xffff, v5  }
0x156: {  	[tilespmem:s0+$0xF5B0] =	vst.add.f32.msk $0xffff, v6  }
0x157: {  	[tilespmem:s0+$0xF5C0] =	vst.add.f32.msk $0xffff, v7  }
0x158: {  	[tilespmem:s0+$0xF5D0] =	vst.add.f32.msk $0xffff, v8  }
0x159: {  	[tilespmem:s0+$0xF5E0] =	vst.add.f32.msk $0xffff, v9  }
0x15a: {  	[tilespmem:s0+$0xF5F0] =	vst.add.f32.msk $0xffff, v10  }
0x15b: {  	[tilespmem:s0+$0xF600] =	vst.add.f32.msk $0xffff, v11  }
0x15c: {  	[tilespmem:s0+$0xF610] =	vst.add.f32.msk $0xffff, v12  }
0x15d: {  	[tilespmem:s0+$0xF620] =	vst.add.f32.msk $0xffff, v13  }
0x15e: {  	[tilespmem:s0+$0xF630] =	vst.add.f32.msk $0xffff, v14  }
0x15f: {  	[tilespmem:s0+$0xF640] =	vst.add.f32.msk $0xffff, v15  }
0x160: {  	[tilespmem:s0+$0xF650] =	vst.add.f32.msk $0xffff, v16  }
0x161: {  	[tilespmem:s0+$0xF660] =	vst.add.f32.msk $0xffff, v17  }
0x162: {  	[tilespmem:s0+$0xF670] =	vst.add.f32.msk $0xffff, v18  }
0x163: {  	[tilespmem:s0+$0xF680] =	vst.add.f32.msk $0xffff, v19  }
0x164: {  	[tilespmem:s0+$0xF690] =	vst.add.f32.msk $0xffff, v20  }
.Ltmp4:
0x165: {  	[tilespmem:s0+$0xF6A0] =	vst.add.f32.msk $0xffff, v21;
	(pc) =	sbr.rel @p0 .LBB2_11-.Ltmp4, $4  }
0x166: {  	[tilespmem:s0+$0xF6B0] =	vst.add.f32.msk $0xffff, v22  }
0x167: {  	[tilespmem:s0+$0xF6C0] =	vst.add.f32.msk $0xffff, v2  }
0x168: {  	[tilespmem:s0+$0xF6D0] =	vst.add.f32.msk $0xffff, v1  }
0x169: {  	[tilespmem:s0+$0xF6E0] =	vst.add.f32.msk $0xffff, v0;
	s0 =	sshra.s32 s3, $0x2;
	s3 =	sadd.s32 $0xC00, s3  }
0x16a: {  	[tilespmem:s0+$0xF6F0] =	vst.add.f32.msk $0xffff, v23  }
0x16b: {  	[tilespmem:s0+$0xF580] =	vst.add.f32.msk $0xffff, v3  }
0x16c: {  	[tilespmem:s0+$0xF590] =	vst.add.f32.msk $0xffff, v4  }
0x16d: {  	[tilespmem:s0+$0xF5A0] =	vst.add.f32.msk $0xffff, v5  }
0x16e: {  	[tilespmem:s0+$0xF5B0] =	vst.add.f32.msk $0xffff, v6  }
0x16f: {  	[tilespmem:s0+$0xF5C0] =	vst.add.f32.msk $0xffff, v7  }
0x170: {  	[tilespmem:s0+$0xF5D0] =	vst.add.f32.msk $0xffff, v8  }
0x171: {  	[tilespmem:s0+$0xF5E0] =	vst.add.f32.msk $0xffff, v9  }
0x172: {  	[tilespmem:s0+$0xF5F0] =	vst.add.f32.msk $0xffff, v10  }
0x173: {  	[tilespmem:s0+$0xF600] =	vst.add.f32.msk $0xffff, v11  }
0x174: {  	[tilespmem:s0+$0xF610] =	vst.add.f32.msk $0xffff, v12  }
0x175: {  	[tilespmem:s0+$0xF620] =	vst.add.f32.msk $0xffff, v13  }
0x176: {  	[tilespmem:s0+$0xF630] =	vst.add.f32.msk $0xffff, v14  }
0x177: {  	[tilespmem:s0+$0xF640] =	vst.add.f32.msk $0xffff, v15  }
0x178: {  	[tilespmem:s0+$0xF650] =	vst.add.f32.msk $0xffff, v16  }
0x179: {  	[tilespmem:s0+$0xF660] =	vst.add.f32.msk $0xffff, v17  }
0x17a: {  	[tilespmem:s0+$0xF670] =	vst.add.f32.msk $0xffff, v18  }
0x17b: {  	[tilespmem:s0+$0xF680] =	vst.add.f32.msk $0xffff, v19  }
0x17c: {  	[tilespmem:s0+$0xF690] =	vst.add.f32.msk $0xffff, v20  }
0x17d: {  	[tilespmem:s0+$0xF6A0] =	vst.add.f32.msk $0xffff, v21  }
0x17e: {  	[tilespmem:s0+$0xF6B0] =	vst.add.f32.msk $0xffff, v22;
	s3 =	sadd.s32 s10, s18  }
0x17f: {  	[tilespmem:s0+$0xF6C0] =	vst.add.f32.msk $0xffff, v2;
	s3 =	sor.u32 s21, s3  }
0x180: {  	[tilespmem:s0+$0xF6D0] =	vst.add.f32.msk $0xffff, v1;
	s3 =	sshrl.u32 s3, $0x3  }
0x181: {  	[tilespmem:s0+$0xF6E0] =	vst.add.f32.msk $0xffff, v0;
	s21 =	simm.s32 $0xF400;
	s0 =	sadd.s32 s5, s3;
	s3 =	simm.s32 $0xC00  }
0x182: {  	[hbm4b:s0+s24] =	stream.strided.scatter [tilespmem:s21], [sflag:$0x7], $0x300, s17, s24, $0x38;
	[tilespmem:$0x1B400] =	vst v63  }
.LBB2_13:
0x183: {  	p0 =	sne.s32 s3, $0x2F400  }
.Ltmp5:
0x184: {  	_ = 	snop;
	(pc) =	sbr.rel @p0 .LBB2_13-.Ltmp5, $4  }
0x185: {  	_ = 	snop  }
0x186: {  	s8 =	sshra.s32 s3, $0x2;
	s3 =	sadd.s32 $0xC00, s3  }
0x187: {  	s0 =	sadd.s32 $0x1E00, s0;
	s8 =	sadd.s32 $0xF400, s8  }
0x188: {  	[hbm4b:s0+s24] =	stream.strided.scatter [tilespmem:s8], [sflag:$0x7], $0x300, s17, s24, $0x38;
	[tilespmem:$0x1B400] =	vst v63  }
0x189: {  	s31 =	sadd.s32 $0x1, s31  }
0x18a: {  	p0 =	sne.s32 s31, $0x4D  }
.Ltmp6:
0x18b: {  	_ = 	snop;
	(pc) =	sbr.rel @p0 .LBB2_2-.Ltmp6, $1  }
0x18c: {  	_ =	sdelay $0x3  }
0x18d: {  	_ =	swait.ge [sflag:s29], $0xC000  }
0x18e: {  	s30 =	sadd.s32 $0x1, s30;
	s0 =	rddreg [dreg:$0x6]  }
0x18f: {  	p0 =	sne.s32 s30, s0  }
.Ltmp7:
0x190: {  	_ = 	snop;
	(pc) =	sbr.rel @p0 .LBB2_1-.Ltmp7, $3  }
0x191: {  	_ =	sdelay $0x1  }
0x192: {  	[sflag:s29] =	ssyncset.done $0x0  }
0x193: {  	[sflag:s29] =	ssyncadd.s32 $0xFFFF4000  }
0x194: {  	_ =	sfence.sel $0x180000  }
0x195: {  	[bflag:$0x0] =	sbarrier.arrive $0xFFFF  }
0x196: {  	_ =	strace $0x90000047  }
0x197: {  	s0 =	stileid.u32;
	[bflag:$0x2] =	sbarrier.arrive $0xFFFF  }
0x198: {  	p0 =	sne.s32 s0, $0x0;
	s0 =	rddreg [dreg:$0x4]  }
0x199: {  	s0 =	sadd.s32 @!p0 $0x100000, s0  }
0x19a: {  	[sflag:s0] =	ssyncadd.tile.s32 @!p0 $0x1;
	_ =	shalt  }
.Lfunc_end2:
_tile_overlayer_lowered:
.L_overlay_start_2:
0x19b: {  	(tag) =	ssettag $0x2  }
0x19c: {  	s0 =	rddreg [dreg:$0x0];
	s2 =	stileid.u32  }
0x19d: {  	s1 =	rddreg [dreg:$0x1];
	p0 =	sne.s32 s2, $0x0  }
0x19e: {  	s3 =	rddreg [dreg:$0x2];
	[bflag:$0x3] =	sbarrier.arrive $0xFFFF;
	s2 =	simm.s32 @!p0 $0x1C08  }
0x19f: {  	[timem:s3], [sflag:s2] =	dma.local @!p0 [hbm:s0], s1  }
0x1a0: {  	s0 =	simm.s32 @!p0 $0x8  }
0x1a1: {  	_ =	swait.ge @!p0 [sflag:s0], s1  }
0x1a2: {  	s1 =	ssub.s32 @!p0 $0x0, s1;
	[sflag:s0] =	ssyncset.done @!p0 $0x0  }
0x1a3: {  	[sflag:s0] =	ssyncadd.s32 @!p0 s1  }
0x1a4: {  	[bflag:$0x3] =	sbarrier.arrive $0xFFFF  }
0x1a5: {  	_ =	shalt  }

</sc_bundles>
